<compile_context>
chip_gen: v7x
topology: tpu7x:2x2x1
jax: 0.10.2.dev20260603
libtpu: 0.0.44.dev20260713+nightly
codegen_flags: <defaults>
</compile_context>

<pallas_src>
import functools
import math

import jax
import jax.numpy as jnp
from jax import lax
from jax.experimental import pallas as pl
from jax.experimental.pallas import tpu as pltpu
from jax.experimental.pallas import tpu_sc as plsc

_D = 64
_L = 200
_B = 4096
_TOTAL = _B * _L
_NC = 2
_NS = 16
_NW = _NC * _NS
_NCALLS = 1
_CROWS = _TOTAL // _NCALLS
_ROWS_PER_W = _CROWS // _NW
_CHUNK = 256
_STEPS = _ROWS_PER_W // _CHUNK
_GW = 128
_SUB = _CHUNK // _GW
_LANES = 16
_SCALE = 2.0 * math.sqrt(float(_D))


def _make_pe(n, d):
    position = jnp.arange(0, n, dtype=jnp.float32)[:, None]
    div_term = jnp.exp(-jnp.arange(0, d, 2, dtype=jnp.float32) * math.log(10000.0) / d)
    pe = jnp.zeros((n, d), dtype=jnp.float32)
    pe = pe.at[:, 0::2].set(jnp.sin(position * div_term))
    pe = pe.at[:, 1::2].set(jnp.cos(position * div_term))
    return pe


def _sc_lookup(token_table, comb, idx, seg):
    mesh = plsc.VectorSubcoreMesh(core_axis_name="c", subcore_axis_name="s")

    vm = pltpu.VMEM
    @functools.partial(
        pl.kernel,
        out_type=jax.ShapeDtypeStruct((_CROWS * _D,), jnp.float32),
        mesh=mesh,
        compiler_params=pltpu.CompilerParams(use_tc_tiling_on_sc=False),
        scratch_types=[
            vm((_CHUNK,), jnp.int32), vm((_CHUNK,), jnp.int32),
            vm((_CHUNK,), jnp.int32), vm((_CHUNK,), jnp.int32),
            vm((_CHUNK,), jnp.int32), vm((_CHUNK,), jnp.int32),
            vm((_CHUNK, _D), jnp.float32), vm((_CHUNK, _D), jnp.float32),
            vm((_CHUNK, _D), jnp.float32), vm((_CHUNK, _D), jnp.float32),
            vm((_CHUNK * _D,), jnp.float32), vm((_CHUNK * _D,), jnp.float32),
            pltpu.SemaphoreType.DMA, pltpu.SemaphoreType.DMA,
            pltpu.SemaphoreType.DMA, pltpu.SemaphoreType.DMA,
        ],
    )
    def k(tok_hbm, comb_hbm, idx_hbm, seg_hbm, out_hbm,
          idx0, idx1, seg0, seg1, cidx0, cidx1,
          rows0, rows1, add0, add1, out0, out1, sg0, sg1, sw0, sw1):
        wid = lax.axis_index("s") * _NC + lax.axis_index("c")
        w_base = wid * _ROWS_PER_W
        idx_v = (idx0, idx1)
        seg_v = (seg0, seg1)
        cidx_v = (cidx0, cidx1)
        rows_v = (rows0, rows1)
        add_v = (add0, add1)
        out_v = (out0, out1)
        sg = (sg0, sg1)
        sw = (sw0, sw1)
        iota = lax.broadcasted_iota(jnp.int32, (_LANES,), 0)

        def prep_and_fire(k_step, p):
            base = w_base + k_step * _CHUNK
            pltpu.sync_copy(idx_hbm.at[pl.ds(base, _CHUNK)], idx_v[p])
            pltpu.sync_copy(seg_hbm.at[pl.ds(base, _CHUNK)], seg_v[p])

            @pl.loop(0, _CHUNK, step=_LANES)
            def _cidx(c0):
                pos = base + c0 + iota
                cidx_v[p][pl.ds(c0, _LANES)] = (
                    seg_v[p][pl.ds(c0, _LANES)] * _L + lax.rem(pos, _L))

            for j in range(_SUB):
                pltpu.async_copy(
                    tok_hbm.at[idx_v[p].at[pl.ds(j * _GW, _GW)]],
                    rows_v[p].at[pl.ds(j * _GW, _GW)], sg[p])
                pltpu.async_copy(
                    comb_hbm.at[cidx_v[p].at[pl.ds(j * _GW, _GW)]],
                    add_v[p].at[pl.ds(j * _GW, _GW)], sg[p])

        def wait_gathers(p):
            for j in range(_SUB):
                pltpu.make_async_copy(
                    tok_hbm.at[idx_v[p].at[pl.ds(j * _GW, _GW)]],
                    rows_v[p].at[pl.ds(j * _GW, _GW)], sg[p]).wait()
                pltpu.make_async_copy(
                    comb_hbm.at[cidx_v[p].at[pl.ds(j * _GW, _GW)]],
                    add_v[p].at[pl.ds(j * _GW, _GW)], sg[p]).wait()

        def wb_descr(k_step, p):
            base = w_base + k_step * _CHUNK
            return pltpu.make_async_copy(
                out_v[p], out_hbm.at[pl.ds(base * _D, _CHUNK * _D)], sw[p])

        prep_and_fire(0, 0)

        @pl.loop(0, _STEPS // 2)
        def _pipe(i):
            for p in range(2):
                k_step = 2 * i + p
                nxt = k_step + 1

                @pl.when(k_step >= 1)
                def _():
                    wb_descr(k_step - 1, 1 - p).wait()

                @pl.when(nxt < _STEPS)
                def _():
                    prep_and_fire(nxt, 1 - p)

                wait_gathers(p)

                @pl.loop(0, _CHUNK, step=4)
                def _fma(r):
                    for dr in range(4):
                        for c0 in range(0, _D, _LANES):
                            slc = (pl.ds(r + dr, 1), pl.ds(c0, _LANES))
                            out_v[p][pl.ds((r + dr) * _D + c0, _LANES)] = (
                                rows_v[p][slc] * _SCALE
                                + add_v[p][slc]).reshape(_LANES)

                wb_descr(k_step, p).start()

        wb_descr(_STEPS - 1, (_STEPS - 1) % 2).wait()

    return k(token_table, comb, idx, seg)


def kernel(bert_inputs, segment_labels, token_table, segment_table):
    pe = _make_pe(_L, _D)
    comb = (segment_table[:, None, :].astype(jnp.float32)
            + pe[None, :, :]).reshape(3 * _L, _D)
    idx = bert_inputs.reshape(_TOTAL).astype(jnp.int32)
    seg = segment_labels.reshape(_TOTAL).astype(jnp.int32)
    tbl = token_table.astype(jnp.float32)
    out = _sc_lookup(tbl, comb, idx, seg)
    return out.reshape(_B, _L, _D)

# --- scband reference (transcript-rebuilt; emitter-appended) ---
"""Pipeline reference for scband-bertembedding-2937757630841 (READ-ONLY COPY).

The authoritative reference and input builder live on the scoring server;
editing this copy changes nothing except your own understanding.
"""

import jax, jax.numpy as jnp
import numpy as np
import math

VOCAB = 1000000
D = 64
B = 4096
L = 200
MAX_LEN = 5000


def make_pos_encoding(max_len, d):
    position = jnp.arange(0, max_len, dtype=jnp.float32)[:, None]
    div_term = jnp.exp(-jnp.arange(0, d, 2, dtype=jnp.float32) * math.log(10000.0) / d)
    pe = jnp.zeros((max_len, d), dtype=jnp.float32)
    pe = pe.at[:, 0::2].set(jnp.sin(position * div_term))
    pe = pe.at[:, 1::2].set(jnp.cos(position * div_term))
    return pe


def setup_inputs(seed: int = 0) -> dict:
    key = jax.random.key(seed)
    k1, k2, k3, k4 = jax.random.split(key, 4)
    bert_inputs = jax.random.randint(k1, (B, L), 0, VOCAB, dtype=jnp.int64 if jax.config.jax_enable_x64 else jnp.int32)
    segment_labels = jax.random.randint(k2, (B, L), 0, 3, dtype=jnp.int64 if jax.config.jax_enable_x64 else jnp.int32)
    token_table = jax.random.normal(k3, (VOCAB, D), dtype=jnp.float32) * 0.02
    segment_table = jax.random.normal(k4, (3, D), dtype=jnp.float32) * 0.02
    return {
        "bert_inputs": bert_inputs,
        "segment_labels": segment_labels,
        "token_table": token_table,
        "segment_table": segment_table,
    }


def reference(bert_inputs, segment_labels, token_table, segment_table):
    # TokenEmbedding: embedding lookup scaled by sqrt(embedding_dim)
    scale = jnp.sqrt(jnp.asarray(float(D), dtype=jnp.float32))
    my_embeddings = jnp.take(token_table, bert_inputs, axis=0) * scale  # [B, L, D]
    # PositionalEncoding (dropout = identity in reference): my_embeddings + pe[:L]
    pe = make_pos_encoding(MAX_LEN, D)[:my_embeddings.shape[1], :]
    pos_encoded = my_embeddings + pe[None, :, :]
    # Segment embedding lookup
    seg = jnp.take(segment_table, segment_labels, axis=0)  # [B, L, D]
    # train=True branch: dropout(my_emb + pos_enc(my_emb) + seg_emb); dropout as identity
    x = my_embeddings + pos_encoded + seg
    return x

if __name__ == "__main__":
    import jax
    _d = setup_inputs()
    print(jax.jit(kernel)(*tuple(_d.values())))

</pallas_src>

<mosaic_0001>
#map = affine_map<(d0, d1) -> (0, 0)>
#map1 = affine_map<(d0, d1) -> (0)>
module attributes {stable_mosaic.version = 14 : i64} {
  func.func @k(%arg0: i32, %arg1: i32, %arg2: memref<1000000x64xf32, #tpu.memory_space<hbm>>, %arg3: memref<600x64xf32, #tpu.memory_space<hbm>>, %arg4: memref<819200xi32, #tpu.memory_space<hbm>>, %arg5: memref<819200xi32, #tpu.memory_space<hbm>>, %arg6: memref<52428800xf32, #tpu.memory_space<hbm>>, %arg7: memref<256xi32, #tpu.memory_space<vmem>>, %arg8: memref<256xi32, #tpu.memory_space<vmem>>, %arg9: memref<256xi32, #tpu.memory_space<vmem>>, %arg10: memref<256xi32, #tpu.memory_space<vmem>>, %arg11: memref<256xi32, #tpu.memory_space<vmem>>, %arg12: memref<256xi32, #tpu.memory_space<vmem>>, %arg13: memref<256x64xf32, #tpu.memory_space<vmem>>, %arg14: memref<256x64xf32, #tpu.memory_space<vmem>>, %arg15: memref<256x64xf32, #tpu.memory_space<vmem>>, %arg16: memref<256x64xf32, #tpu.memory_space<vmem>>, %arg17: memref<16384xf32, #tpu.memory_space<vmem>>, %arg18: memref<16384xf32, #tpu.memory_space<vmem>>, %arg19: memref<!tpu.dma_semaphore, #tpu.memory_space<semaphore_mem>>, %arg20: memref<!tpu.dma_semaphore, #tpu.memory_space<semaphore_mem>>, %arg21: memref<!tpu.dma_semaphore, #tpu.memory_space<semaphore_mem>>, %arg22: memref<!tpu.dma_semaphore, #tpu.memory_space<semaphore_mem>>) attributes {dimension_semantics = [#tpu.dimension_semantics<core_parallel>, #tpu.dimension_semantics<subcore_parallel>], iteration_bounds = array<i64: 2, 16>, scalar_prefetch = 0 : i64, scratch_operands = 16 : i64, tpu.core_type = #tpu.core_type<sc_vector_subcore>, window_params = [{transform_indices = #map}, {transform_indices = #map}, {transform_indices = #map1}, {transform_indices = #map1}, {transform_indices = #map1}]} {
    %mul3A = arith.constant 2 : i32
    %mul3A_0 = arith.muli %arg1, %mul3A : i32
    %add3A = arith.addi %mul3A_0, %arg0 : i32
    %mul3A_1 = arith.constant 25600 : i32
    %mul3A_2 = arith.muli %add3A, %mul3A_1 : i32
    %iota3A = tpu.iota {dimensions = array<i32: 0>} : vector<16xi32>
    %add3A_3 = arith.constant 0 : i32
    %add3A_4 = arith.addi %mul3A_2, %add3A_3 : i32
    "tpu.region"() ({
      %run_scoped3A = tpu.sem_alloc : memref<!tpu.dma_semaphore, #tpu.memory_space<semaphore_mem>>
      %dma_start3A_50 = tpu.memref_slice %arg4[%add3A_4] : memref<819200xi32, #tpu.memory_space<hbm>> -> memref<256xi32, #tpu.memory_space<hbm>>
      %dma_start3A_51 = tpu.memref_slice %arg4[%add3A_4] : memref<819200xi32, #tpu.memory_space<hbm>> -> memref<256xi32, #tpu.memory_space<hbm>>
      tpu.enqueue_dma source(%dma_start3A_51 : memref<256xi32, #tpu.memory_space<hbm>>) target(%arg7 : memref<256xi32, #tpu.memory_space<vmem>>) target_semaphore(%run_scoped3A : memref<!tpu.dma_semaphore, #tpu.memory_space<semaphore_mem>>)
      %dma_wait3A_52 = tpu.memref_slice %arg4[%add3A_4] : memref<819200xi32, #tpu.memory_space<hbm>> -> memref<256xi32, #tpu.memory_space<hbm>>
      %dma_wait3A_53 = tpu.memref_slice %arg4[%add3A_4] : memref<819200xi32, #tpu.memory_space<hbm>> -> memref<256xi32, #tpu.memory_space<hbm>>
      tpu.wait_dma2 semaphore(%run_scoped3A : memref<!tpu.dma_semaphore, #tpu.memory_space<semaphore_mem>>) src(%dma_wait3A_53 : memref<256xi32, #tpu.memory_space<hbm>>) dst(%arg7 : memref<256xi32, #tpu.memory_space<vmem>>)
      tpu.yield
    }) : () -> ()
    "tpu.region"() ({
      %run_scoped3A = tpu.sem_alloc : memref<!tpu.dma_semaphore, #tpu.memory_space<semaphore_mem>>
      %dma_start3A_50 = tpu.memref_slice %arg5[%add3A_4] : memref<819200xi32, #tpu.memory_space<hbm>> -> memref<256xi32, #tpu.memory_space<hbm>>
      %dma_start3A_51 = tpu.memref_slice %arg5[%add3A_4] : memref<819200xi32, #tpu.memory_space<hbm>> -> memref<256xi32, #tpu.memory_space<hbm>>
      tpu.enqueue_dma source(%dma_start3A_51 : memref<256xi32, #tpu.memory_space<hbm>>) target(%arg9 : memref<256xi32, #tpu.memory_space<vmem>>) target_semaphore(%run_scoped3A : memref<!tpu.dma_semaphore, #tpu.memory_space<semaphore_mem>>)
      %dma_wait3A_52 = tpu.memref_slice %arg5[%add3A_4] : memref<819200xi32, #tpu.memory_space<hbm>> -> memref<256xi32, #tpu.memory_space<hbm>>
      %dma_wait3A_53 = tpu.memref_slice %arg5[%add3A_4] : memref<819200xi32, #tpu.memory_space<hbm>> -> memref<256xi32, #tpu.memory_space<hbm>>
      tpu.wait_dma2 semaphore(%run_scoped3A : memref<!tpu.dma_semaphore, #tpu.memory_space<semaphore_mem>>) src(%dma_wait3A_53 : memref<256xi32, #tpu.memory_space<hbm>>) dst(%arg9 : memref<256xi32, #tpu.memory_space<vmem>>)
      tpu.yield
    }) : () -> ()
    %scan3A = arith.constant 0 : i32
    %scan3A_5 = arith.constant 16 : i32
    %scan3A_6 = arith.addi %scan3A, %scan3A_5 : i32
    %scan3A_7 = arith.constant 1 : i32
    scf.for %scan3A_50 = %scan3A to %scan3A_6 step %scan3A_7  : i32 {
      %mul3A_51 = arith.constant 16 : i32
      %mul3A_52 = arith.muli %scan3A_50, %mul3A_51 : i32
      %add3A_53 = arith.constant 0 : i32
      %add3A_54 = arith.addi %add3A_53, %mul3A_52 : i32
      %add3A_55 = arith.addi %add3A_4, %add3A_54 : i32
      %add3A_56 = vector.broadcast %add3A_55 : i32 to vector<16xi32>
      %add3A_57 = arith.addi %add3A_56, %iota3A : vector<16xi32>
      %get3A = arith.index_cast %add3A_54 : i32 to index
      %get3A_58 = tpu.vector_load %arg9[%get3A] {strides = array<i32>} : memref<256xi32, #tpu.memory_space<vmem>>, vector<16xi32>,
      %get3A_59 = vector.shape_cast %get3A_58 : vector<16xi32> to vector<16xi32>
      %mul3A_60 = arith.constant 200 : i32
      %mul3A_61 = vector.broadcast %mul3A_60 : i32 to vector<16xi32>
      %mul3A_62 = arith.muli %get3A_59, %mul3A_61 : vector<16xi32>
      %rem3A = arith.constant 200 : i32
      %rem3A_63 = vector.broadcast %rem3A : i32 to vector<16xi32>
      %rem3A_64 = arith.remsi %add3A_57, %rem3A_63 : vector<16xi32>
      %add3A_65 = arith.addi %mul3A_62, %rem3A_64 : vector<16xi32>
      %swap3A = arith.index_cast %add3A_54 : i32 to index
      %swap3A_66 = tpu.vector_load %arg11[%swap3A] {strides = array<i32>} : memref<256xi32, #tpu.memory_space<vmem>>, vector<16xi32>,
      %swap3A_67 = vector.shape_cast %swap3A_66 : vector<16xi32> to vector<16xi32>
      %swap3A_68 = vector.shape_cast %add3A_65 : vector<16xi32> to vector<16xi32>
      tpu.vector_store %arg11[%swap3A], %swap3A_68 {strides = array<i32>} : memref<256xi32, #tpu.memory_space<vmem>>, vector<16xi32>,
    }
    %scan3A_8 = arith.constant 16 : i32
    %dma_start3A = arith.constant 0 : i32
    %dma_start3A_9 = arith.constant 0 : i32
    %dma_start3A_10 = tpu.memref_slice %arg13[%dma_start3A, %dma_start3A_9] : memref<256x64xf32, #tpu.memory_space<vmem>> -> memref<128x64xf32, #tpu.memory_space<vmem>>
    %dma_start3A_11 = arith.constant 0 : i32
    %dma_start3A_12 = tpu.memref_slice %arg7[%dma_start3A_11] : memref<256xi32, #tpu.memory_space<vmem>> -> memref<128xi32, #tpu.memory_space<vmem>>
    %dma_start3A_13 = arith.constant 0 : i32
    %dma_start3A_14 = arith.constant 0 : i32
    %dma_start3A_15 = tpu.memref_slice %arg2[%dma_start3A_13, %dma_start3A_14] : memref<1000000x64xf32, #tpu.memory_space<hbm>> -> memref<1000000x64xf32, #tpu.memory_space<hbm>>
    tpu.enqueue_indirect_dma source(%dma_start3A_15 : memref<1000000x64xf32, #tpu.memory_space<hbm>>) target(%dma_start3A_10 : memref<128x64xf32, #tpu.memory_space<vmem>>) offsets(%dma_start3A_12 : memref<128xi32, #tpu.memory_space<vmem>>) semaphore(%arg19 : memref<!tpu.dma_semaphore, #tpu.memory_space<semaphore_mem>>)
    %dma_start3A_16 = arith.constant 0 : i32
    %dma_start3A_17 = arith.constant 0 : i32
    %dma_start3A_18 = tpu.memref_slice %arg15[%dma_start3A_16, %dma_start3A_17] : memref<256x64xf32, #tpu.memory_space<vmem>> -> memref<128x64xf32, #tpu.memory_space<vmem>>
    %dma_start3A_19 = arith.constant 0 : i32
    %dma_start3A_20 = tpu.memref_slice %arg11[%dma_start3A_19] : memref<256xi32, #tpu.memory_space<vmem>> -> memref<128xi32, #tpu.memory_space<vmem>>
    %dma_start3A_21 = arith.constant 0 : i32
    %dma_start3A_22 = arith.constant 0 : i32
    %dma_start3A_23 = tpu.memref_slice %arg3[%dma_start3A_21, %dma_start3A_22] : memref<600x64xf32, #tpu.memory_space<hbm>> -> memref<600x64xf32, #tpu.memory_space<hbm>>
    tpu.enqueue_indirect_dma source(%dma_start3A_23 : memref<600x64xf32, #tpu.memory_space<hbm>>) target(%dma_start3A_18 : memref<128x64xf32, #tpu.memory_space<vmem>>) offsets(%dma_start3A_20 : memref<128xi32, #tpu.memory_space<vmem>>) semaphore(%arg19 : memref<!tpu.dma_semaphore, #tpu.memory_space<semaphore_mem>>)
    %dma_start3A_24 = arith.constant 128 : i32
    %dma_start3A_25 = arith.constant 0 : i32
    %dma_start3A_26 = tpu.memref_slice %arg13[%dma_start3A_24, %dma_start3A_25] : memref<256x64xf32, #tpu.memory_space<vmem>> -> memref<128x64xf32, #tpu.memory_space<vmem>>
    %dma_start3A_27 = arith.constant 128 : i32
    %dma_start3A_28 = tpu.memref_slice %arg7[%dma_start3A_27] : memref<256xi32, #tpu.memory_space<vmem>> -> memref<128xi32, #tpu.memory_space<vmem>>
    %dma_start3A_29 = arith.constant 0 : i32
    %dma_start3A_30 = arith.constant 0 : i32
    %dma_start3A_31 = tpu.memref_slice %arg2[%dma_start3A_29, %dma_start3A_30] : memref<1000000x64xf32, #tpu.memory_space<hbm>> -> memref<1000000x64xf32, #tpu.memory_space<hbm>>
    tpu.enqueue_indirect_dma source(%dma_start3A_31 : memref<1000000x64xf32, #tpu.memory_space<hbm>>) target(%dma_start3A_26 : memref<128x64xf32, #tpu.memory_space<vmem>>) offsets(%dma_start3A_28 : memref<128xi32, #tpu.memory_space<vmem>>) semaphore(%arg19 : memref<!tpu.dma_semaphore, #tpu.memory_space<semaphore_mem>>)
    %dma_start3A_32 = arith.constant 128 : i32
    %dma_start3A_33 = arith.constant 0 : i32
    %dma_start3A_34 = tpu.memref_slice %arg15[%dma_start3A_32, %dma_start3A_33] : memref<256x64xf32, #tpu.memory_space<vmem>> -> memref<128x64xf32, #tpu.memory_space<vmem>>
    %dma_start3A_35 = arith.constant 128 : i32
    %dma_start3A_36 = tpu.memref_slice %arg11[%dma_start3A_35] : memref<256xi32, #tpu.memory_space<vmem>> -> memref<128xi32, #tpu.memory_space<vmem>>
    %dma_start3A_37 = arith.constant 0 : i32
    %dma_start3A_38 = arith.constant 0 : i32
    %dma_start3A_39 = tpu.memref_slice %arg3[%dma_start3A_37, %dma_start3A_38] : memref<600x64xf32, #tpu.memory_space<hbm>> -> memref<600x64xf32, #tpu.memory_space<hbm>>
    tpu.enqueue_indirect_dma source(%dma_start3A_39 : memref<600x64xf32, #tpu.memory_space<hbm>>) target(%dma_start3A_34 : memref<128x64xf32, #tpu.memory_space<vmem>>) offsets(%dma_start3A_36 : memref<128xi32, #tpu.memory_space<vmem>>) semaphore(%arg19 : memref<!tpu.dma_semaphore, #tpu.memory_space<semaphore_mem>>)
    %scan3A_40 = arith.constant 0 : i32
    %scan3A_41 = arith.constant 50 : i32
    %scan3A_42 = arith.addi %scan3A_40, %scan3A_41 : i32
    %scan3A_43 = arith.constant 1 : i32
    scf.for %scan3A_50 = %scan3A_40 to %scan3A_42 step %scan3A_43  : i32 {
      %mul3A_51 = arith.constant 1 : i32
      %mul3A_52 = arith.muli %scan3A_50, %mul3A_51 : i32
      %add3A_53 = arith.constant 0 : i32
      %add3A_54 = arith.addi %add3A_53, %mul3A_52 : i32
      %mul3A_55 = arith.constant 2 : i32
      %mul3A_56 = arith.muli %mul3A_55, %add3A_54 : i32
      %add3A_57 = arith.constant 0 : i32
      %add3A_58 = arith.addi %mul3A_56, %add3A_57 : i32
      %add3A_59 = arith.constant 1 : i32
      %add3A_60 = arith.addi %add3A_58, %add3A_59 : i32
      %ge3A = arith.constant 1 : i32
      %ge3A_61 = arith.cmpi sge, %add3A_58, %ge3A : i32
      %convert_element_type3A = arith.extui %ge3A_61 : i1 to i32
      %cond3A = arith.constant 0 : i32
      %cond3A_62 = arith.cmpi ne, %convert_element_type3A, %cond3A : i32
      scf.if %cond3A_62 {
        %sub3A = arith.constant 1 : i32
        %sub3A_171 = arith.subi %add3A_58, %sub3A : i32
        %mul3A_172 = arith.constant 256 : i32
        %mul3A_173 = arith.muli %sub3A_171, %mul3A_172 : i32
        %add3A_174 = arith.addi %mul3A_2, %mul3A_173 : i32
        %mul3A_175 = arith.constant 64 : i32
        %mul3A_176 = arith.muli %add3A_174, %mul3A_175 : i32
        %dma_wait3A_177 = tpu.memref_slice %arg6[%mul3A_176] : memref<52428800xf32, #tpu.memory_space<hbm>> -> memref<16384xf32, #tpu.memory_space<hbm>>
        %dma_wait3A_178 = tpu.memref_slice %arg6[%mul3A_176] : memref<52428800xf32, #tpu.memory_space<hbm>> -> memref<16384xf32, #tpu.memory_space<hbm>>
        tpu.wait_dma2 semaphore(%arg22 : memref<!tpu.dma_semaphore, #tpu.memory_space<semaphore_mem>>) src(%arg18 : memref<16384xf32, #tpu.memory_space<vmem>>) dst(%dma_wait3A_178 : memref<16384xf32, #tpu.memory_space<hbm>>)
      } else {
      }
      %lt3A = arith.constant 100 : i32
      %lt3A_63 = arith.cmpi slt, %add3A_60, %lt3A : i32
      %convert_element_type3A_64 = arith.extui %lt3A_63 : i1 to i32
      %cond3A_65 = arith.constant 0 : i32
      %cond3A_66 = arith.cmpi ne, %convert_element_type3A_64, %cond3A_65 : i32
      scf.if %cond3A_66 {
        %mul3A_171 = arith.constant 256 : i32
        %mul3A_172 = arith.muli %add3A_60, %mul3A_171 : i32
        %add3A_173 = arith.addi %mul3A_2, %mul3A_172 : i32
        "tpu.region"() ({
          %run_scoped3A = tpu.sem_alloc : memref<!tpu.dma_semaphore, #tpu.memory_space<semaphore_mem>>
          %dma_start3A_211 = tpu.memref_slice %arg4[%add3A_173] : memref<819200xi32, #tpu.memory_space<hbm>> -> memref<256xi32, #tpu.memory_space<hbm>>
          %dma_start3A_212 = tpu.memref_slice %arg4[%add3A_173] : memref<819200xi32, #tpu.memory_space<hbm>> -> memref<256xi32, #tpu.memory_space<hbm>>
          tpu.enqueue_dma source(%dma_start3A_212 : memref<256xi32, #tpu.memory_space<hbm>>) target(%arg8 : memref<256xi32, #tpu.memory_space<vmem>>) target_semaphore(%run_scoped3A : memref<!tpu.dma_semaphore, #tpu.memory_space<semaphore_mem>>)
          %dma_wait3A_213 = tpu.memref_slice %arg4[%add3A_173] : memref<819200xi32, #tpu.memory_space<hbm>> -> memref<256xi32, #tpu.memory_space<hbm>>
          %dma_wait3A_214 = tpu.memref_slice %arg4[%add3A_173] : memref<819200xi32, #tpu.memory_space<hbm>> -> memref<256xi32, #tpu.memory_space<hbm>>
          tpu.wait_dma2 semaphore(%run_scoped3A : memref<!tpu.dma_semaphore, #tpu.memory_space<semaphore_mem>>) src(%dma_wait3A_214 : memref<256xi32, #tpu.memory_space<hbm>>) dst(%arg8 : memref<256xi32, #tpu.memory_space<vmem>>)
          tpu.yield
        }) : () -> ()
        "tpu.region"() ({
          %run_scoped3A = tpu.sem_alloc : memref<!tpu.dma_semaphore, #tpu.memory_space<semaphore_mem>>
          %dma_start3A_211 = tpu.memref_slice %arg5[%add3A_173] : memref<819200xi32, #tpu.memory_space<hbm>> -> memref<256xi32, #tpu.memory_space<hbm>>
          %dma_start3A_212 = tpu.memref_slice %arg5[%add3A_173] : memref<819200xi32, #tpu.memory_space<hbm>> -> memref<256xi32, #tpu.memory_space<hbm>>
          tpu.enqueue_dma source(%dma_start3A_212 : memref<256xi32, #tpu.memory_space<hbm>>) target(%arg10 : memref<256xi32, #tpu.memory_space<vmem>>) target_semaphore(%run_scoped3A : memref<!tpu.dma_semaphore, #tpu.memory_space<semaphore_mem>>)
          %dma_wait3A_213 = tpu.memref_slice %arg5[%add3A_173] : memref<819200xi32, #tpu.memory_space<hbm>> -> memref<256xi32, #tpu.memory_space<hbm>>
          %dma_wait3A_214 = tpu.memref_slice %arg5[%add3A_173] : memref<819200xi32, #tpu.memory_space<hbm>> -> memref<256xi32, #tpu.memory_space<hbm>>
          tpu.wait_dma2 semaphore(%run_scoped3A : memref<!tpu.dma_semaphore, #tpu.memory_space<semaphore_mem>>) src(%dma_wait3A_214 : memref<256xi32, #tpu.memory_space<hbm>>) dst(%arg10 : memref<256xi32, #tpu.memory_space<vmem>>)
          tpu.yield
        }) : () -> ()
        %scan3A_174 = arith.constant 0 : i32
        %scan3A_175 = arith.constant 16 : i32
        %scan3A_176 = arith.addi %scan3A_174, %scan3A_175 : i32
        %scan3A_177 = arith.constant 1 : i32
        scf.for %scan3A_211 = %scan3A_174 to %scan3A_176 step %scan3A_177  : i32 {
          %mul3A_212 = arith.constant 16 : i32
          %mul3A_213 = arith.muli %scan3A_211, %mul3A_212 : i32
          %add3A_214 = arith.constant 0 : i32
          %add3A_215 = arith.addi %add3A_214, %mul3A_213 : i32
          %add3A_216 = arith.addi %add3A_173, %add3A_215 : i32
          %add3A_217 = vector.broadcast %add3A_216 : i32 to vector<16xi32>
          %add3A_218 = arith.addi %add3A_217, %iota3A : vector<16xi32>
          %get3A = arith.index_cast %add3A_215 : i32 to index
          %get3A_219 = tpu.vector_load %arg10[%get3A] {strides = array<i32>} : memref<256xi32, #tpu.memory_space<vmem>>, vector<16xi32>,
          %get3A_220 = vector.shape_cast %get3A_219 : vector<16xi32> to vector<16xi32>
          %mul3A_221 = arith.constant 200 : i32
          %mul3A_222 = vector.broadcast %mul3A_221 : i32 to vector<16xi32>
          %mul3A_223 = arith.muli %get3A_220, %mul3A_222 : vector<16xi32>
          %rem3A = arith.constant 200 : i32
          %rem3A_224 = vector.broadcast %rem3A : i32 to vector<16xi32>
          %rem3A_225 = arith.remsi %add3A_218, %rem3A_224 : vector<16xi32>
          %add3A_226 = arith.addi %mul3A_223, %rem3A_225 : vector<16xi32>
          %swap3A = arith.index_cast %add3A_215 : i32 to index
          %swap3A_227 = tpu.vector_load %arg12[%swap3A] {strides = array<i32>} : memref<256xi32, #tpu.memory_space<vmem>>, vector<16xi32>,
          %swap3A_228 = vector.shape_cast %swap3A_227 : vector<16xi32> to vector<16xi32>
          %swap3A_229 = vector.shape_cast %add3A_226 : vector<16xi32> to vector<16xi32>
          tpu.vector_store %arg12[%swap3A], %swap3A_229 {strides = array<i32>} : memref<256xi32, #tpu.memory_space<vmem>>, vector<16xi32>,
        }
        %scan3A_178 = arith.constant 16 : i32
        %dma_start3A_179 = arith.constant 0 : i32
        %dma_start3A_180 = arith.constant 0 : i32
        %dma_start3A_181 = tpu.memref_slice %arg14[%dma_start3A_179, %dma_start3A_180] : memref<256x64xf32, #tpu.memory_space<vmem>> -> memref<128x64xf32, #tpu.memory_space<vmem>>
        %dma_start3A_182 = arith.constant 0 : i32
        %dma_start3A_183 = tpu.memref_slice %arg8[%dma_start3A_182] : memref<256xi32, #tpu.memory_space<vmem>> -> memref<128xi32, #tpu.memory_space<vmem>>
        %dma_start3A_184 = arith.constant 0 : i32
        %dma_start3A_185 = arith.constant 0 : i32
        %dma_start3A_186 = tpu.memref_slice %arg2[%dma_start3A_184, %dma_start3A_185] : memref<1000000x64xf32, #tpu.memory_space<hbm>> -> memref<1000000x64xf32, #tpu.memory_space<hbm>>
        tpu.enqueue_indirect_dma source(%dma_start3A_186 : memref<1000000x64xf32, #tpu.memory_space<hbm>>) target(%dma_start3A_181 : memref<128x64xf32, #tpu.memory_space<vmem>>) offsets(%dma_start3A_183 : memref<128xi32, #tpu.memory_space<vmem>>) semaphore(%arg20 : memref<!tpu.dma_semaphore, #tpu.memory_space<semaphore_mem>>)
        %dma_start3A_187 = arith.constant 0 : i32
        %dma_start3A_188 = arith.constant 0 : i32
        %dma_start3A_189 = tpu.memref_slice %arg16[%dma_start3A_187, %dma_start3A_188] : memref<256x64xf32, #tpu.memory_space<vmem>> -> memref<128x64xf32, #tpu.memory_space<vmem>>
        %dma_start3A_190 = arith.constant 0 : i32
        %dma_start3A_191 = tpu.memref_slice %arg12[%dma_start3A_190] : memref<256xi32, #tpu.memory_space<vmem>> -> memref<128xi32, #tpu.memory_space<vmem>>
        %dma_start3A_192 = arith.constant 0 : i32
        %dma_start3A_193 = arith.constant 0 : i32
        %dma_start3A_194 = tpu.memref_slice %arg3[%dma_start3A_192, %dma_start3A_193] : memref<600x64xf32, #tpu.memory_space<hbm>> -> memref<600x64xf32, #tpu.memory_space<hbm>>
        tpu.enqueue_indirect_dma source(%dma_start3A_194 : memref<600x64xf32, #tpu.memory_space<hbm>>) target(%dma_start3A_189 : memref<128x64xf32, #tpu.memory_space<vmem>>) offsets(%dma_start3A_191 : memref<128xi32, #tpu.memory_space<vmem>>) semaphore(%arg20 : memref<!tpu.dma_semaphore, #tpu.memory_space<semaphore_mem>>)
        %dma_start3A_195 = arith.constant 128 : i32
        %dma_start3A_196 = arith.constant 0 : i32
        %dma_start3A_197 = tpu.memref_slice %arg14[%dma_start3A_195, %dma_start3A_196] : memref<256x64xf32, #tpu.memory_space<vmem>> -> memref<128x64xf32, #tpu.memory_space<vmem>>
        %dma_start3A_198 = arith.constant 128 : i32
        %dma_start3A_199 = tpu.memref_slice %arg8[%dma_start3A_198] : memref<256xi32, #tpu.memory_space<vmem>> -> memref<128xi32, #tpu.memory_space<vmem>>
        %dma_start3A_200 = arith.constant 0 : i32
        %dma_start3A_201 = arith.constant 0 : i32
        %dma_start3A_202 = tpu.memref_slice %arg2[%dma_start3A_200, %dma_start3A_201] : memref<1000000x64xf32, #tpu.memory_space<hbm>> -> memref<1000000x64xf32, #tpu.memory_space<hbm>>
        tpu.enqueue_indirect_dma source(%dma_start3A_202 : memref<1000000x64xf32, #tpu.memory_space<hbm>>) target(%dma_start3A_197 : memref<128x64xf32, #tpu.memory_space<vmem>>) offsets(%dma_start3A_199 : memref<128xi32, #tpu.memory_space<vmem>>) semaphore(%arg20 : memref<!tpu.dma_semaphore, #tpu.memory_space<semaphore_mem>>)
        %dma_start3A_203 = arith.constant 128 : i32
        %dma_start3A_204 = arith.constant 0 : i32
        %dma_start3A_205 = tpu.memref_slice %arg16[%dma_start3A_203, %dma_start3A_204] : memref<256x64xf32, #tpu.memory_space<vmem>> -> memref<128x64xf32, #tpu.memory_space<vmem>>
        %dma_start3A_206 = arith.constant 128 : i32
        %dma_start3A_207 = tpu.memref_slice %arg12[%dma_start3A_206] : memref<256xi32, #tpu.memory_space<vmem>> -> memref<128xi32, #tpu.memory_space<vmem>>
        %dma_start3A_208 = arith.constant 0 : i32
        %dma_start3A_209 = arith.constant 0 : i32
        %dma_start3A_210 = tpu.memref_slice %arg3[%dma_start3A_208, %dma_start3A_209] : memref<600x64xf32, #tpu.memory_space<hbm>> -> memref<600x64xf32, #tpu.memory_space<hbm>>
        tpu.enqueue_indirect_dma source(%dma_start3A_210 : memref<600x64xf32, #tpu.memory_space<hbm>>) target(%dma_start3A_205 : memref<128x64xf32, #tpu.memory_space<vmem>>) offsets(%dma_start3A_207 : memref<128xi32, #tpu.memory_space<vmem>>) semaphore(%arg20 : memref<!tpu.dma_semaphore, #tpu.memory_space<semaphore_mem>>)
      } else {
      }
      %dma_wait3A_67 = arith.constant 0 : i32
      %dma_wait3A_68 = arith.constant 0 : i32
      %dma_wait3A_69 = tpu.memref_slice %arg13[%dma_wait3A_67, %dma_wait3A_68] : memref<256x64xf32, #tpu.memory_space<vmem>> -> memref<128x64xf32, #tpu.memory_space<vmem>>
      %dma_wait3A_70 = arith.constant 0 : i32
      %dma_wait3A_71 = tpu.memref_slice %arg7[%dma_wait3A_70] : memref<256xi32, #tpu.memory_space<vmem>> -> memref<128xi32, #tpu.memory_space<vmem>>
      %dma_wait3A_72 = arith.constant 0 : i32
      %dma_wait3A_73 = arith.constant 0 : i32
      %dma_wait3A_74 = tpu.memref_slice %arg2[%dma_wait3A_72, %dma_wait3A_73] : memref<1000000x64xf32, #tpu.memory_space<hbm>> -> memref<1000000x64xf32, #tpu.memory_space<hbm>>
      tpu.wait_indirect_dma semaphore(%arg19 : memref<!tpu.dma_semaphore, #tpu.memory_space<semaphore_mem>>) src(%dma_wait3A_74 : memref<1000000x64xf32, #tpu.memory_space<hbm>>) dst(%dma_wait3A_69 : memref<128x64xf32, #tpu.memory_space<vmem>>)
      %dma_wait3A_75 = arith.constant 0 : i32
      %dma_wait3A_76 = arith.constant 0 : i32
      %dma_wait3A_77 = tpu.memref_slice %arg15[%dma_wait3A_75, %dma_wait3A_76] : memref<256x64xf32, #tpu.memory_space<vmem>> -> memref<128x64xf32, #tpu.memory_space<vmem>>
      %dma_wait3A_78 = arith.constant 0 : i32
      %dma_wait3A_79 = tpu.memref_slice %arg11[%dma_wait3A_78] : memref<256xi32, #tpu.memory_space<vmem>> -> memref<128xi32, #tpu.memory_space<vmem>>
      %dma_wait3A_80 = arith.constant 0 : i32
      %dma_wait3A_81 = arith.constant 0 : i32
      %dma_wait3A_82 = tpu.memref_slice %arg3[%dma_wait3A_80, %dma_wait3A_81] : memref<600x64xf32, #tpu.memory_space<hbm>> -> memref<600x64xf32, #tpu.memory_space<hbm>>
      tpu.wait_indirect_dma semaphore(%arg19 : memref<!tpu.dma_semaphore, #tpu.memory_space<semaphore_mem>>) src(%dma_wait3A_82 : memref<600x64xf32, #tpu.memory_space<hbm>>) dst(%dma_wait3A_77 : memref<128x64xf32, #tpu.memory_space<vmem>>)
      %dma_wait3A_83 = arith.constant 128 : i32
      %dma_wait3A_84 = arith.constant 0 : i32
      %dma_wait3A_85 = tpu.memref_slice %arg13[%dma_wait3A_83, %dma_wait3A_84] : memref<256x64xf32, #tpu.memory_space<vmem>> -> memref<128x64xf32, #tpu.memory_space<vmem>>
      %dma_wait3A_86 = arith.constant 128 : i32
      %dma_wait3A_87 = tpu.memref_slice %arg7[%dma_wait3A_86] : memref<256xi32, #tpu.memory_space<vmem>> -> memref<128xi32, #tpu.memory_space<vmem>>
      %dma_wait3A_88 = arith.constant 0 : i32
      %dma_wait3A_89 = arith.constant 0 : i32
      %dma_wait3A_90 = tpu.memref_slice %arg2[%dma_wait3A_88, %dma_wait3A_89] : memref<1000000x64xf32, #tpu.memory_space<hbm>> -> memref<1000000x64xf32, #tpu.memory_space<hbm>>
      tpu.wait_indirect_dma semaphore(%arg19 : memref<!tpu.dma_semaphore, #tpu.memory_space<semaphore_mem>>) src(%dma_wait3A_90 : memref<1000000x64xf32, #tpu.memory_space<hbm>>) dst(%dma_wait3A_85 : memref<128x64xf32, #tpu.memory_space<vmem>>)
      %dma_wait3A_91 = arith.constant 128 : i32
      %dma_wait3A_92 = arith.constant 0 : i32
      %dma_wait3A_93 = tpu.memref_slice %arg15[%dma_wait3A_91, %dma_wait3A_92] : memref<256x64xf32, #tpu.memory_space<vmem>> -> memref<128x64xf32, #tpu.memory_space<vmem>>
      %dma_wait3A_94 = arith.constant 128 : i32
      %dma_wait3A_95 = tpu.memref_slice %arg11[%dma_wait3A_94] : memref<256xi32, #tpu.memory_space<vmem>> -> memref<128xi32, #tpu.memory_space<vmem>>
      %dma_wait3A_96 = arith.constant 0 : i32
      %dma_wait3A_97 = arith.constant 0 : i32
      %dma_wait3A_98 = tpu.memref_slice %arg3[%dma_wait3A_96, %dma_wait3A_97] : memref<600x64xf32, #tpu.memory_space<hbm>> -> memref<600x64xf32, #tpu.memory_space<hbm>>
      tpu.wait_indirect_dma semaphore(%arg19 : memref<!tpu.dma_semaphore, #tpu.memory_space<semaphore_mem>>) src(%dma_wait3A_98 : memref<600x64xf32, #tpu.memory_space<hbm>>) dst(%dma_wait3A_93 : memref<128x64xf32, #tpu.memory_space<vmem>>)
      %scan3A_99 = arith.constant 0 : i32
      %scan3A_100 = arith.constant 64 : i32
      %scan3A_101 = arith.addi %scan3A_99, %scan3A_100 : i32
      %scan3A_102 = arith.constant 1 : i32
      scf.for %scan3A_171 = %scan3A_99 to %scan3A_101 step %scan3A_102  : i32 {
        %mul3A_172 = arith.constant 4 : i32
        %mul3A_173 = arith.muli %scan3A_171, %mul3A_172 : i32
        %add3A_174 = arith.constant 0 : i32
        %add3A_175 = arith.addi %add3A_174, %mul3A_173 : i32
        %add3A_176 = arith.constant 0 : i32
        %add3A_177 = arith.addi %add3A_175, %add3A_176 : i32
        %get3A = arith.index_cast %add3A_177 : i32 to index
        %get3A_178 = arith.constant 0 : index
        %get3A_179 = tpu.vector_load %arg13[%get3A, %get3A_178] {strides = array<i32>} : memref<256x64xf32, #tpu.memory_space<vmem>>, vector<1x16xf32>,
        %get3A_180 = vector.shape_cast %get3A_179 : vector<1x16xf32> to vector<1x16xf32>
        %mul3A_181 = arith.constant 1.600000e+01 : f32
        %mul3A_182 = vector.broadcast %mul3A_181 : f32 to vector<1x16xf32>
        %mul3A_183 = arith.mulf %get3A_180, %mul3A_182 : vector<1x16xf32>
        %get3A_184 = arith.index_cast %add3A_177 : i32 to index
        %get3A_185 = arith.constant 0 : index
        %get3A_186 = tpu.vector_load %arg15[%get3A_184, %get3A_185] {strides = array<i32>} : memref<256x64xf32, #tpu.memory_space<vmem>>, vector<1x16xf32>,
        %get3A_187 = vector.shape_cast %get3A_186 : vector<1x16xf32> to vector<1x16xf32>
        %add3A_188 = arith.addf %mul3A_183, %get3A_187 : vector<1x16xf32>
        %reshape3A = vector.shape_cast %add3A_188 : vector<1x16xf32> to vector<16xf32>
        %add3A_189 = arith.constant 0 : i32
        %add3A_190 = arith.addi %add3A_175, %add3A_189 : i32
        %mul3A_191 = arith.constant 64 : i32
        %mul3A_192 = arith.muli %add3A_190, %mul3A_191 : i32
        %add3A_193 = arith.constant 0 : i32
        %add3A_194 = arith.addi %mul3A_192, %add3A_193 : i32
        %swap3A = arith.index_cast %add3A_194 : i32 to index
        %swap3A_195 = tpu.vector_load %arg17[%swap3A] {strides = array<i32>} : memref<16384xf32, #tpu.memory_space<vmem>>, vector<16xf32>,
        %swap3A_196 = vector.shape_cast %swap3A_195 : vector<16xf32> to vector<16xf32>
        %swap3A_197 = vector.shape_cast %reshape3A : vector<16xf32> to vector<16xf32>
        tpu.vector_store %arg17[%swap3A], %swap3A_197 {strides = array<i32>} : memref<16384xf32, #tpu.memory_space<vmem>>, vector<16xf32>,
        %add3A_198 = arith.constant 0 : i32
        %add3A_199 = arith.addi %add3A_175, %add3A_198 : i32
        %get3A_200 = arith.index_cast %add3A_199 : i32 to index
        %get3A_201 = arith.constant 16 : index
        %get3A_202 = tpu.vector_load %arg13[%get3A_200, %get3A_201] {strides = array<i32>} : memref<256x64xf32, #tpu.memory_space<vmem>>, vector<1x16xf32>,
        %get3A_203 = vector.shape_cast %get3A_202 : vector<1x16xf32> to vector<1x16xf32>
        %mul3A_204 = arith.constant 1.600000e+01 : f32
        %mul3A_205 = vector.broadcast %mul3A_204 : f32 to vector<1x16xf32>
        %mul3A_206 = arith.mulf %get3A_203, %mul3A_205 : vector<1x16xf32>
        %get3A_207 = arith.index_cast %add3A_199 : i32 to index
        %get3A_208 = arith.constant 16 : index
        %get3A_209 = tpu.vector_load %arg15[%get3A_207, %get3A_208] {strides = array<i32>} : memref<256x64xf32, #tpu.memory_space<vmem>>, vector<1x16xf32>,
        %get3A_210 = vector.shape_cast %get3A_209 : vector<1x16xf32> to vector<1x16xf32>
        %add3A_211 = arith.addf %mul3A_206, %get3A_210 : vector<1x16xf32>
        %reshape3A_212 = vector.shape_cast %add3A_211 : vector<1x16xf32> to vector<16xf32>
        %add3A_213 = arith.constant 0 : i32
        %add3A_214 = arith.addi %add3A_175, %add3A_213 : i32
        %mul3A_215 = arith.constant 64 : i32
        %mul3A_216 = arith.muli %add3A_214, %mul3A_215 : i32
        %add3A_217 = arith.constant 16 : i32
        %add3A_218 = arith.addi %mul3A_216, %add3A_217 : i32
        %swap3A_219 = arith.index_cast %add3A_218 : i32 to index
        %swap3A_220 = tpu.vector_load %arg17[%swap3A_219] {strides = array<i32>} : memref<16384xf32, #tpu.memory_space<vmem>>, vector<16xf32>,
        %swap3A_221 = vector.shape_cast %swap3A_220 : vector<16xf32> to vector<16xf32>
        %swap3A_222 = vector.shape_cast %reshape3A_212 : vector<16xf32> to vector<16xf32>
        tpu.vector_store %arg17[%swap3A_219], %swap3A_222 {strides = array<i32>} : memref<16384xf32, #tpu.memory_space<vmem>>, vector<16xf32>,
        %add3A_223 = arith.constant 0 : i32
        %add3A_224 = arith.addi %add3A_175, %add3A_223 : i32
        %get3A_225 = arith.index_cast %add3A_224 : i32 to index
        %get3A_226 = arith.constant 32 : index
        %get3A_227 = tpu.vector_load %arg13[%get3A_225, %get3A_226] {strides = array<i32>} : memref<256x64xf32, #tpu.memory_space<vmem>>, vector<1x16xf32>,
        %get3A_228 = vector.shape_cast %get3A_227 : vector<1x16xf32> to vector<1x16xf32>
        %mul3A_229 = arith.constant 1.600000e+01 : f32
        %mul3A_230 = vector.broadcast %mul3A_229 : f32 to vector<1x16xf32>
        %mul3A_231 = arith.mulf %get3A_228, %mul3A_230 : vector<1x16xf32>
        %get3A_232 = arith.index_cast %add3A_224 : i32 to index
        %get3A_233 = arith.constant 32 : index
        %get3A_234 = tpu.vector_load %arg15[%get3A_232, %get3A_233] {strides = array<i32>} : memref<256x64xf32, #tpu.memory_space<vmem>>, vector<1x16xf32>,
        %get3A_235 = vector.shape_cast %get3A_234 : vector<1x16xf32> to vector<1x16xf32>
        %add3A_236 = arith.addf %mul3A_231, %get3A_235 : vector<1x16xf32>
        %reshape3A_237 = vector.shape_cast %add3A_236 : vector<1x16xf32> to vector<16xf32>
        %add3A_238 = arith.constant 0 : i32
        %add3A_239 = arith.addi %add3A_175, %add3A_238 : i32
        %mul3A_240 = arith.constant 64 : i32
        %mul3A_241 = arith.muli %add3A_239, %mul3A_240 : i32
        %add3A_242 = arith.constant 32 : i32
        %add3A_243 = arith.addi %mul3A_241, %add3A_242 : i32
        %swap3A_244 = arith.index_cast %add3A_243 : i32 to index
        %swap3A_245 = tpu.vector_load %arg17[%swap3A_244] {strides = array<i32>} : memref<16384xf32, #tpu.memory_space<vmem>>, vector<16xf32>,
        %swap3A_246 = vector.shape_cast %swap3A_245 : vector<16xf32> to vector<16xf32>
        %swap3A_247 = vector.shape_cast %reshape3A_237 : vector<16xf32> to vector<16xf32>
        tpu.vector_store %arg17[%swap3A_244], %swap3A_247 {strides = array<i32>} : memref<16384xf32, #tpu.memory_space<vmem>>, vector<16xf32>,
        %add3A_248 = arith.constant 0 : i32
        %add3A_249 = arith.addi %add3A_175, %add3A_248 : i32
        %get3A_250 = arith.index_cast %add3A_249 : i32 to index
        %get3A_251 = arith.constant 48 : index
        %get3A_252 = tpu.vector_load %arg13[%get3A_250, %get3A_251] {strides = array<i32>} : memref<256x64xf32, #tpu.memory_space<vmem>>, vector<1x16xf32>,
        %get3A_253 = vector.shape_cast %get3A_252 : vector<1x16xf32> to vector<1x16xf32>
        %mul3A_254 = arith.constant 1.600000e+01 : f32
        %mul3A_255 = vector.broadcast %mul3A_254 : f32 to vector<1x16xf32>
        %mul3A_256 = arith.mulf %get3A_253, %mul3A_255 : vector<1x16xf32>
        %get3A_257 = arith.index_cast %add3A_249 : i32 to index
        %get3A_258 = arith.constant 48 : index
        %get3A_259 = tpu.vector_load %arg15[%get3A_257, %get3A_258] {strides = array<i32>} : memref<256x64xf32, #tpu.memory_space<vmem>>, vector<1x16xf32>,
        %get3A_260 = vector.shape_cast %get3A_259 : vector<1x16xf32> to vector<1x16xf32>
        %add3A_261 = arith.addf %mul3A_256, %get3A_260 : vector<1x16xf32>
        %reshape3A_262 = vector.shape_cast %add3A_261 : vector<1x16xf32> to vector<16xf32>
        %add3A_263 = arith.constant 0 : i32
        %add3A_264 = arith.addi %add3A_175, %add3A_263 : i32
        %mul3A_265 = arith.constant 64 : i32
        %mul3A_266 = arith.muli %add3A_264, %mul3A_265 : i32
        %add3A_267 = arith.constant 48 : i32
        %add3A_268 = arith.addi %mul3A_266, %add3A_267 : i32
        %swap3A_269 = arith.index_cast %add3A_268 : i32 to index
        %swap3A_270 = tpu.vector_load %arg17[%swap3A_269] {strides = array<i32>} : memref<16384xf32, #tpu.memory_space<vmem>>, vector<16xf32>,
        %swap3A_271 = vector.shape_cast %swap3A_270 : vector<16xf32> to vector<16xf32>
        %swap3A_272 = vector.shape_cast %reshape3A_262 : vector<16xf32> to vector<16xf32>
        tpu.vector_store %arg17[%swap3A_269], %swap3A_272 {strides = array<i32>} : memref<16384xf32, #tpu.memory_space<vmem>>, vector<16xf32>,
        %add3A_273 = arith.constant 1 : i32
        %add3A_274 = arith.addi %add3A_175, %add3A_273 : i32
        %get3A_275 = arith.index_cast %add3A_274 : i32 to index
        %get3A_276 = arith.constant 0 : index
        %get3A_277 = tpu.vector_load %arg13[%get3A_275, %get3A_276] {strides = array<i32>} : memref<256x64xf32, #tpu.memory_space<vmem>>, vector<1x16xf32>,
        %get3A_278 = vector.shape_cast %get3A_277 : vector<1x16xf32> to vector<1x16xf32>
        %mul3A_279 = arith.constant 1.600000e+01 : f32
        %mul3A_280 = vector.broadcast %mul3A_279 : f32 to vector<1x16xf32>
        %mul3A_281 = arith.mulf %get3A_278, %mul3A_280 : vector<1x16xf32>
        %get3A_282 = arith.index_cast %add3A_274 : i32 to index
        %get3A_283 = arith.constant 0 : index
        %get3A_284 = tpu.vector_load %arg15[%get3A_282, %get3A_283] {strides = array<i32>} : memref<256x64xf32, #tpu.memory_space<vmem>>, vector<1x16xf32>,
        %get3A_285 = vector.shape_cast %get3A_284 : vector<1x16xf32> to vector<1x16xf32>
        %add3A_286 = arith.addf %mul3A_281, %get3A_285 : vector<1x16xf32>
        %reshape3A_287 = vector.shape_cast %add3A_286 : vector<1x16xf32> to vector<16xf32>
        %add3A_288 = arith.constant 1 : i32
        %add3A_289 = arith.addi %add3A_175, %add3A_288 : i32
        %mul3A_290 = arith.constant 64 : i32
        %mul3A_291 = arith.muli %add3A_289, %mul3A_290 : i32
        %add3A_292 = arith.constant 0 : i32
        %add3A_293 = arith.addi %mul3A_291, %add3A_292 : i32
        %swap3A_294 = arith.index_cast %add3A_293 : i32 to index
        %swap3A_295 = tpu.vector_load %arg17[%swap3A_294] {strides = array<i32>} : memref<16384xf32, #tpu.memory_space<vmem>>, vector<16xf32>,
        %swap3A_296 = vector.shape_cast %swap3A_295 : vector<16xf32> to vector<16xf32>
        %swap3A_297 = vector.shape_cast %reshape3A_287 : vector<16xf32> to vector<16xf32>
        tpu.vector_store %arg17[%swap3A_294], %swap3A_297 {strides = array<i32>} : memref<16384xf32, #tpu.memory_space<vmem>>, vector<16xf32>,
        %add3A_298 = arith.constant 1 : i32
        %add3A_299 = arith.addi %add3A_175, %add3A_298 : i32
        %get3A_300 = arith.index_cast %add3A_299 : i32 to index
        %get3A_301 = arith.constant 16 : index
        %get3A_302 = tpu.vector_load %arg13[%get3A_300, %get3A_301] {strides = array<i32>} : memref<256x64xf32, #tpu.memory_space<vmem>>, vector<1x16xf32>,
        %get3A_303 = vector.shape_cast %get3A_302 : vector<1x16xf32> to vector<1x16xf32>
        %mul3A_304 = arith.constant 1.600000e+01 : f32
        %mul3A_305 = vector.broadcast %mul3A_304 : f32 to vector<1x16xf32>
        %mul3A_306 = arith.mulf %get3A_303, %mul3A_305 : vector<1x16xf32>
        %get3A_307 = arith.index_cast %add3A_299 : i32 to index
        %get3A_308 = arith.constant 16 : index
        %get3A_309 = tpu.vector_load %arg15[%get3A_307, %get3A_308] {strides = array<i32>} : memref<256x64xf32, #tpu.memory_space<vmem>>, vector<1x16xf32>,
        %get3A_310 = vector.shape_cast %get3A_309 : vector<1x16xf32> to vector<1x16xf32>
        %add3A_311 = arith.addf %mul3A_306, %get3A_310 : vector<1x16xf32>
        %reshape3A_312 = vector.shape_cast %add3A_311 : vector<1x16xf32> to vector<16xf32>
        %add3A_313 = arith.constant 1 : i32
        %add3A_314 = arith.addi %add3A_175, %add3A_313 : i32
        %mul3A_315 = arith.constant 64 : i32
        %mul3A_316 = arith.muli %add3A_314, %mul3A_315 : i32
        %add3A_317 = arith.constant 16 : i32
        %add3A_318 = arith.addi %mul3A_316, %add3A_317 : i32
        %swap3A_319 = arith.index_cast %add3A_318 : i32 to index
        %swap3A_320 = tpu.vector_load %arg17[%swap3A_319] {strides = array<i32>} : memref<16384xf32, #tpu.memory_space<vmem>>, vector<16xf32>,
        %swap3A_321 = vector.shape_cast %swap3A_320 : vector<16xf32> to vector<16xf32>
        %swap3A_322 = vector.shape_cast %reshape3A_312 : vector<16xf32> to vector<16xf32>
        tpu.vector_store %arg17[%swap3A_319], %swap3A_322 {strides = array<i32>} : memref<16384xf32, #tpu.memory_space<vmem>>, vector<16xf32>,
        %add3A_323 = arith.constant 1 : i32
        %add3A_324 = arith.addi %add3A_175, %add3A_323 : i32
        %get3A_325 = arith.index_cast %add3A_324 : i32 to index
        %get3A_326 = arith.constant 32 : index
        %get3A_327 = tpu.vector_load %arg13[%get3A_325, %get3A_326] {strides = array<i32>} : memref<256x64xf32, #tpu.memory_space<vmem>>, vector<1x16xf32>,
        %get3A_328 = vector.shape_cast %get3A_327 : vector<1x16xf32> to vector<1x16xf32>
        %mul3A_329 = arith.constant 1.600000e+01 : f32
        %mul3A_330 = vector.broadcast %mul3A_329 : f32 to vector<1x16xf32>
        %mul3A_331 = arith.mulf %get3A_328, %mul3A_330 : vector<1x16xf32>
        %get3A_332 = arith.index_cast %add3A_324 : i32 to index
        %get3A_333 = arith.constant 32 : index
        %get3A_334 = tpu.vector_load %arg15[%get3A_332, %get3A_333] {strides = array<i32>} : memref<256x64xf32, #tpu.memory_space<vmem>>, vector<1x16xf32>,
        %get3A_335 = vector.shape_cast %get3A_334 : vector<1x16xf32> to vector<1x16xf32>
        %add3A_336 = arith.addf %mul3A_331, %get3A_335 : vector<1x16xf32>
        %reshape3A_337 = vector.shape_cast %add3A_336 : vector<1x16xf32> to vector<16xf32>
        %add3A_338 = arith.constant 1 : i32
        %add3A_339 = arith.addi %add3A_175, %add3A_338 : i32
        %mul3A_340 = arith.constant 64 : i32
        %mul3A_341 = arith.muli %add3A_339, %mul3A_340 : i32
        %add3A_342 = arith.constant 32 : i32
        %add3A_343 = arith.addi %mul3A_341, %add3A_342 : i32
        %swap3A_344 = arith.index_cast %add3A_343 : i32 to index
        %swap3A_345 = tpu.vector_load %arg17[%swap3A_344] {strides = array<i32>} : memref<16384xf32, #tpu.memory_space<vmem>>, vector<16xf32>,
        %swap3A_346 = vector.shape_cast %swap3A_345 : vector<16xf32> to vector<16xf32>
        %swap3A_347 = vector.shape_cast %reshape3A_337 : vector<16xf32> to vector<16xf32>
        tpu.vector_store %arg17[%swap3A_344], %swap3A_347 {strides = array<i32>} : memref<16384xf32, #tpu.memory_space<vmem>>, vector<16xf32>,
        %add3A_348 = arith.constant 1 : i32
        %add3A_349 = arith.addi %add3A_175, %add3A_348 : i32
        %get3A_350 = arith.index_cast %add3A_349 : i32 to index
        %get3A_351 = arith.constant 48 : index
        %get3A_352 = tpu.vector_load %arg13[%get3A_350, %get3A_351] {strides = array<i32>} : memref<256x64xf32, #tpu.memory_space<vmem>>, vector<1x16xf32>,
        %get3A_353 = vector.shape_cast %get3A_352 : vector<1x16xf32> to vector<1x16xf32>
        %mul3A_354 = arith.constant 1.600000e+01 : f32
        %mul3A_355 = vector.broadcast %mul3A_354 : f32 to vector<1x16xf32>
        %mul3A_356 = arith.mulf %get3A_353, %mul3A_355 : vector<1x16xf32>
        %get3A_357 = arith.index_cast %add3A_349 : i32 to index
        %get3A_358 = arith.constant 48 : index
        %get3A_359 = tpu.vector_load %arg15[%get3A_357, %get3A_358] {strides = array<i32>} : memref<256x64xf32, #tpu.memory_space<vmem>>, vector<1x16xf32>,
        %get3A_360 = vector.shape_cast %get3A_359 : vector<1x16xf32> to vector<1x16xf32>
        %add3A_361 = arith.addf %mul3A_356, %get3A_360 : vector<1x16xf32>
        %reshape3A_362 = vector.shape_cast %add3A_361 : vector<1x16xf32> to vector<16xf32>
        %add3A_363 = arith.constant 1 : i32
        %add3A_364 = arith.addi %add3A_175, %add3A_363 : i32
        %mul3A_365 = arith.constant 64 : i32
        %mul3A_366 = arith.muli %add3A_364, %mul3A_365 : i32
        %add3A_367 = arith.constant 48 : i32
        %add3A_368 = arith.addi %mul3A_366, %add3A_367 : i32
        %swap3A_369 = arith.index_cast %add3A_368 : i32 to index
        %swap3A_370 = tpu.vector_load %arg17[%swap3A_369] {strides = array<i32>} : memref<16384xf32, #tpu.memory_space<vmem>>, vector<16xf32>,
        %swap3A_371 = vector.shape_cast %swap3A_370 : vector<16xf32> to vector<16xf32>
        %swap3A_372 = vector.shape_cast %reshape3A_362 : vector<16xf32> to vector<16xf32>
        tpu.vector_store %arg17[%swap3A_369], %swap3A_372 {strides = array<i32>} : memref<16384xf32, #tpu.memory_space<vmem>>, vector<16xf32>,
        %add3A_373 = arith.constant 2 : i32
        %add3A_374 = arith.addi %add3A_175, %add3A_373 : i32
        %get3A_375 = arith.index_cast %add3A_374 : i32 to index
        %get3A_376 = arith.constant 0 : index
        %get3A_377 = tpu.vector_load %arg13[%get3A_375, %get3A_376] {strides = array<i32>} : memref<256x64xf32, #tpu.memory_space<vmem>>, vector<1x16xf32>,
        %get3A_378 = vector.shape_cast %get3A_377 : vector<1x16xf32> to vector<1x16xf32>
        %mul3A_379 = arith.constant 1.600000e+01 : f32
        %mul3A_380 = vector.broadcast %mul3A_379 : f32 to vector<1x16xf32>
        %mul3A_381 = arith.mulf %get3A_378, %mul3A_380 : vector<1x16xf32>
        %get3A_382 = arith.index_cast %add3A_374 : i32 to index
        %get3A_383 = arith.constant 0 : index
        %get3A_384 = tpu.vector_load %arg15[%get3A_382, %get3A_383] {strides = array<i32>} : memref<256x64xf32, #tpu.memory_space<vmem>>, vector<1x16xf32>,
        %get3A_385 = vector.shape_cast %get3A_384 : vector<1x16xf32> to vector<1x16xf32>
        %add3A_386 = arith.addf %mul3A_381, %get3A_385 : vector<1x16xf32>
        %reshape3A_387 = vector.shape_cast %add3A_386 : vector<1x16xf32> to vector<16xf32>
        %add3A_388 = arith.constant 2 : i32
        %add3A_389 = arith.addi %add3A_175, %add3A_388 : i32
        %mul3A_390 = arith.constant 64 : i32
        %mul3A_391 = arith.muli %add3A_389, %mul3A_390 : i32
        %add3A_392 = arith.constant 0 : i32
        %add3A_393 = arith.addi %mul3A_391, %add3A_392 : i32
        %swap3A_394 = arith.index_cast %add3A_393 : i32 to index
        %swap3A_395 = tpu.vector_load %arg17[%swap3A_394] {strides = array<i32>} : memref<16384xf32, #tpu.memory_space<vmem>>, vector<16xf32>,
        %swap3A_396 = vector.shape_cast %swap3A_395 : vector<16xf32> to vector<16xf32>
        %swap3A_397 = vector.shape_cast %reshape3A_387 : vector<16xf32> to vector<16xf32>
        tpu.vector_store %arg17[%swap3A_394], %swap3A_397 {strides = array<i32>} : memref<16384xf32, #tpu.memory_space<vmem>>, vector<16xf32>,
        %add3A_398 = arith.constant 2 : i32
        %add3A_399 = arith.addi %add3A_175, %add3A_398 : i32
        %get3A_400 = arith.index_cast %add3A_399 : i32 to index
        %get3A_401 = arith.constant 16 : index
        %get3A_402 = tpu.vector_load %arg13[%get3A_400, %get3A_401] {strides = array<i32>} : memref<256x64xf32, #tpu.memory_space<vmem>>, vector<1x16xf32>,
        %get3A_403 = vector.shape_cast %get3A_402 : vector<1x16xf32> to vector<1x16xf32>
        %mul3A_404 = arith.constant 1.600000e+01 : f32
        %mul3A_405 = vector.broadcast %mul3A_404 : f32 to vector<1x16xf32>
        %mul3A_406 = arith.mulf %get3A_403, %mul3A_405 : vector<1x16xf32>
        %get3A_407 = arith.index_cast %add3A_399 : i32 to index
        %get3A_408 = arith.constant 16 : index
        %get3A_409 = tpu.vector_load %arg15[%get3A_407, %get3A_408] {strides = array<i32>} : memref<256x64xf32, #tpu.memory_space<vmem>>, vector<1x16xf32>,
        %get3A_410 = vector.shape_cast %get3A_409 : vector<1x16xf32> to vector<1x16xf32>
        %add3A_411 = arith.addf %mul3A_406, %get3A_410 : vector<1x16xf32>
        %reshape3A_412 = vector.shape_cast %add3A_411 : vector<1x16xf32> to vector<16xf32>
        %add3A_413 = arith.constant 2 : i32
        %add3A_414 = arith.addi %add3A_175, %add3A_413 : i32
        %mul3A_415 = arith.constant 64 : i32
        %mul3A_416 = arith.muli %add3A_414, %mul3A_415 : i32
        %add3A_417 = arith.constant 16 : i32
        %add3A_418 = arith.addi %mul3A_416, %add3A_417 : i32
        %swap3A_419 = arith.index_cast %add3A_418 : i32 to index
        %swap3A_420 = tpu.vector_load %arg17[%swap3A_419] {strides = array<i32>} : memref<16384xf32, #tpu.memory_space<vmem>>, vector<16xf32>,
        %swap3A_421 = vector.shape_cast %swap3A_420 : vector<16xf32> to vector<16xf32>
        %swap3A_422 = vector.shape_cast %reshape3A_412 : vector<16xf32> to vector<16xf32>
        tpu.vector_store %arg17[%swap3A_419], %swap3A_422 {strides = array<i32>} : memref<16384xf32, #tpu.memory_space<vmem>>, vector<16xf32>,
        %add3A_423 = arith.constant 2 : i32
        %add3A_424 = arith.addi %add3A_175, %add3A_423 : i32
        %get3A_425 = arith.index_cast %add3A_424 : i32 to index
        %get3A_426 = arith.constant 32 : index
        %get3A_427 = tpu.vector_load %arg13[%get3A_425, %get3A_426] {strides = array<i32>} : memref<256x64xf32, #tpu.memory_space<vmem>>, vector<1x16xf32>,
        %get3A_428 = vector.shape_cast %get3A_427 : vector<1x16xf32> to vector<1x16xf32>
        %mul3A_429 = arith.constant 1.600000e+01 : f32
        %mul3A_430 = vector.broadcast %mul3A_429 : f32 to vector<1x16xf32>
        %mul3A_431 = arith.mulf %get3A_428, %mul3A_430 : vector<1x16xf32>
        %get3A_432 = arith.index_cast %add3A_424 : i32 to index
        %get3A_433 = arith.constant 32 : index
        %get3A_434 = tpu.vector_load %arg15[%get3A_432, %get3A_433] {strides = array<i32>} : memref<256x64xf32, #tpu.memory_space<vmem>>, vector<1x16xf32>,
        %get3A_435 = vector.shape_cast %get3A_434 : vector<1x16xf32> to vector<1x16xf32>
        %add3A_436 = arith.addf %mul3A_431, %get3A_435 : vector<1x16xf32>
        %reshape3A_437 = vector.shape_cast %add3A_436 : vector<1x16xf32> to vector<16xf32>
        %add3A_438 = arith.constant 2 : i32
        %add3A_439 = arith.addi %add3A_175, %add3A_438 : i32
        %mul3A_440 = arith.constant 64 : i32
        %mul3A_441 = arith.muli %add3A_439, %mul3A_440 : i32
        %add3A_442 = arith.constant 32 : i32
        %add3A_443 = arith.addi %mul3A_441, %add3A_442 : i32
        %swap3A_444 = arith.index_cast %add3A_443 : i32 to index
        %swap3A_445 = tpu.vector_load %arg17[%swap3A_444] {strides = array<i32>} : memref<16384xf32, #tpu.memory_space<vmem>>, vector<16xf32>,
        %swap3A_446 = vector.shape_cast %swap3A_445 : vector<16xf32> to vector<16xf32>
        %swap3A_447 = vector.shape_cast %reshape3A_437 : vector<16xf32> to vector<16xf32>
        tpu.vector_store %arg17[%swap3A_444], %swap3A_447 {strides = array<i32>} : memref<16384xf32, #tpu.memory_space<vmem>>, vector<16xf32>,
        %add3A_448 = arith.constant 2 : i32
        %add3A_449 = arith.addi %add3A_175, %add3A_448 : i32
        %get3A_450 = arith.index_cast %add3A_449 : i32 to index
        %get3A_451 = arith.constant 48 : index
        %get3A_452 = tpu.vector_load %arg13[%get3A_450, %get3A_451] {strides = array<i32>} : memref<256x64xf32, #tpu.memory_space<vmem>>, vector<1x16xf32>,
        %get3A_453 = vector.shape_cast %get3A_452 : vector<1x16xf32> to vector<1x16xf32>
        %mul3A_454 = arith.constant 1.600000e+01 : f32
        %mul3A_455 = vector.broadcast %mul3A_454 : f32 to vector<1x16xf32>
        %mul3A_456 = arith.mulf %get3A_453, %mul3A_455 : vector<1x16xf32>
        %get3A_457 = arith.index_cast %add3A_449 : i32 to index
        %get3A_458 = arith.constant 48 : index
        %get3A_459 = tpu.vector_load %arg15[%get3A_457, %get3A_458] {strides = array<i32>} : memref<256x64xf32, #tpu.memory_space<vmem>>, vector<1x16xf32>,
        %get3A_460 = vector.shape_cast %get3A_459 : vector<1x16xf32> to vector<1x16xf32>
        %add3A_461 = arith.addf %mul3A_456, %get3A_460 : vector<1x16xf32>
        %reshape3A_462 = vector.shape_cast %add3A_461 : vector<1x16xf32> to vector<16xf32>
        %add3A_463 = arith.constant 2 : i32
        %add3A_464 = arith.addi %add3A_175, %add3A_463 : i32
        %mul3A_465 = arith.constant 64 : i32
        %mul3A_466 = arith.muli %add3A_464, %mul3A_465 : i32
        %add3A_467 = arith.constant 48 : i32
        %add3A_468 = arith.addi %mul3A_466, %add3A_467 : i32
        %swap3A_469 = arith.index_cast %add3A_468 : i32 to index
        %swap3A_470 = tpu.vector_load %arg17[%swap3A_469] {strides = array<i32>} : memref<16384xf32, #tpu.memory_space<vmem>>, vector<16xf32>,
        %swap3A_471 = vector.shape_cast %swap3A_470 : vector<16xf32> to vector<16xf32>
        %swap3A_472 = vector.shape_cast %reshape3A_462 : vector<16xf32> to vector<16xf32>
        tpu.vector_store %arg17[%swap3A_469], %swap3A_472 {strides = array<i32>} : memref<16384xf32, #tpu.memory_space<vmem>>, vector<16xf32>,
        %add3A_473 = arith.constant 3 : i32
        %add3A_474 = arith.addi %add3A_175, %add3A_473 : i32
        %get3A_475 = arith.index_cast %add3A_474 : i32 to index
        %get3A_476 = arith.constant 0 : index
        %get3A_477 = tpu.vector_load %arg13[%get3A_475, %get3A_476] {strides = array<i32>} : memref<256x64xf32, #tpu.memory_space<vmem>>, vector<1x16xf32>,
        %get3A_478 = vector.shape_cast %get3A_477 : vector<1x16xf32> to vector<1x16xf32>
        %mul3A_479 = arith.constant 1.600000e+01 : f32
        %mul3A_480 = vector.broadcast %mul3A_479 : f32 to vector<1x16xf32>
        %mul3A_481 = arith.mulf %get3A_478, %mul3A_480 : vector<1x16xf32>
        %get3A_482 = arith.index_cast %add3A_474 : i32 to index
        %get3A_483 = arith.constant 0 : index
        %get3A_484 = tpu.vector_load %arg15[%get3A_482, %get3A_483] {strides = array<i32>} : memref<256x64xf32, #tpu.memory_space<vmem>>, vector<1x16xf32>,
        %get3A_485 = vector.shape_cast %get3A_484 : vector<1x16xf32> to vector<1x16xf32>
        %add3A_486 = arith.addf %mul3A_481, %get3A_485 : vector<1x16xf32>
        %reshape3A_487 = vector.shape_cast %add3A_486 : vector<1x16xf32> to vector<16xf32>
        %add3A_488 = arith.constant 3 : i32
        %add3A_489 = arith.addi %add3A_175, %add3A_488 : i32
        %mul3A_490 = arith.constant 64 : i32
        %mul3A_491 = arith.muli %add3A_489, %mul3A_490 : i32
        %add3A_492 = arith.constant 0 : i32
        %add3A_493 = arith.addi %mul3A_491, %add3A_492 : i32
        %swap3A_494 = arith.index_cast %add3A_493 : i32 to index
        %swap3A_495 = tpu.vector_load %arg17[%swap3A_494] {strides = array<i32>} : memref<16384xf32, #tpu.memory_space<vmem>>, vector<16xf32>,
        %swap3A_496 = vector.shape_cast %swap3A_495 : vector<16xf32> to vector<16xf32>
        %swap3A_497 = vector.shape_cast %reshape3A_487 : vector<16xf32> to vector<16xf32>
        tpu.vector_store %arg17[%swap3A_494], %swap3A_497 {strides = array<i32>} : memref<16384xf32, #tpu.memory_space<vmem>>, vector<16xf32>,
        %add3A_498 = arith.constant 3 : i32
        %add3A_499 = arith.addi %add3A_175, %add3A_498 : i32
        %get3A_500 = arith.index_cast %add3A_499 : i32 to index
        %get3A_501 = arith.constant 16 : index
        %get3A_502 = tpu.vector_load %arg13[%get3A_500, %get3A_501] {strides = array<i32>} : memref<256x64xf32, #tpu.memory_space<vmem>>, vector<1x16xf32>,
        %get3A_503 = vector.shape_cast %get3A_502 : vector<1x16xf32> to vector<1x16xf32>
        %mul3A_504 = arith.constant 1.600000e+01 : f32
        %mul3A_505 = vector.broadcast %mul3A_504 : f32 to vector<1x16xf32>
        %mul3A_506 = arith.mulf %get3A_503, %mul3A_505 : vector<1x16xf32>
        %get3A_507 = arith.index_cast %add3A_499 : i32 to index
        %get3A_508 = arith.constant 16 : index
        %get3A_509 = tpu.vector_load %arg15[%get3A_507, %get3A_508] {strides = array<i32>} : memref<256x64xf32, #tpu.memory_space<vmem>>, vector<1x16xf32>,
        %get3A_510 = vector.shape_cast %get3A_509 : vector<1x16xf32> to vector<1x16xf32>
        %add3A_511 = arith.addf %mul3A_506, %get3A_510 : vector<1x16xf32>
        %reshape3A_512 = vector.shape_cast %add3A_511 : vector<1x16xf32> to vector<16xf32>
        %add3A_513 = arith.constant 3 : i32
        %add3A_514 = arith.addi %add3A_175, %add3A_513 : i32
        %mul3A_515 = arith.constant 64 : i32
        %mul3A_516 = arith.muli %add3A_514, %mul3A_515 : i32
        %add3A_517 = arith.constant 16 : i32
        %add3A_518 = arith.addi %mul3A_516, %add3A_517 : i32
        %swap3A_519 = arith.index_cast %add3A_518 : i32 to index
        %swap3A_520 = tpu.vector_load %arg17[%swap3A_519] {strides = array<i32>} : memref<16384xf32, #tpu.memory_space<vmem>>, vector<16xf32>,
        %swap3A_521 = vector.shape_cast %swap3A_520 : vector<16xf32> to vector<16xf32>
        %swap3A_522 = vector.shape_cast %reshape3A_512 : vector<16xf32> to vector<16xf32>
        tpu.vector_store %arg17[%swap3A_519], %swap3A_522 {strides = array<i32>} : memref<16384xf32, #tpu.memory_space<vmem>>, vector<16xf32>,
        %add3A_523 = arith.constant 3 : i32
        %add3A_524 = arith.addi %add3A_175, %add3A_523 : i32
        %get3A_525 = arith.index_cast %add3A_524 : i32 to index
        %get3A_526 = arith.constant 32 : index
        %get3A_527 = tpu.vector_load %arg13[%get3A_525, %get3A_526] {strides = array<i32>} : memref<256x64xf32, #tpu.memory_space<vmem>>, vector<1x16xf32>,
        %get3A_528 = vector.shape_cast %get3A_527 : vector<1x16xf32> to vector<1x16xf32>
        %mul3A_529 = arith.constant 1.600000e+01 : f32
        %mul3A_530 = vector.broadcast %mul3A_529 : f32 to vector<1x16xf32>
        %mul3A_531 = arith.mulf %get3A_528, %mul3A_530 : vector<1x16xf32>
        %get3A_532 = arith.index_cast %add3A_524 : i32 to index
        %get3A_533 = arith.constant 32 : index
        %get3A_534 = tpu.vector_load %arg15[%get3A_532, %get3A_533] {strides = array<i32>} : memref<256x64xf32, #tpu.memory_space<vmem>>, vector<1x16xf32>,
        %get3A_535 = vector.shape_cast %get3A_534 : vector<1x16xf32> to vector<1x16xf32>
        %add3A_536 = arith.addf %mul3A_531, %get3A_535 : vector<1x16xf32>
        %reshape3A_537 = vector.shape_cast %add3A_536 : vector<1x16xf32> to vector<16xf32>
        %add3A_538 = arith.constant 3 : i32
        %add3A_539 = arith.addi %add3A_175, %add3A_538 : i32
        %mul3A_540 = arith.constant 64 : i32
        %mul3A_541 = arith.muli %add3A_539, %mul3A_540 : i32
        %add3A_542 = arith.constant 32 : i32
        %add3A_543 = arith.addi %mul3A_541, %add3A_542 : i32
        %swap3A_544 = arith.index_cast %add3A_543 : i32 to index
        %swap3A_545 = tpu.vector_load %arg17[%swap3A_544] {strides = array<i32>} : memref<16384xf32, #tpu.memory_space<vmem>>, vector<16xf32>,
        %swap3A_546 = vector.shape_cast %swap3A_545 : vector<16xf32> to vector<16xf32>
        %swap3A_547 = vector.shape_cast %reshape3A_537 : vector<16xf32> to vector<16xf32>
        tpu.vector_store %arg17[%swap3A_544], %swap3A_547 {strides = array<i32>} : memref<16384xf32, #tpu.memory_space<vmem>>, vector<16xf32>,
        %add3A_548 = arith.constant 3 : i32
        %add3A_549 = arith.addi %add3A_175, %add3A_548 : i32
        %get3A_550 = arith.index_cast %add3A_549 : i32 to index
        %get3A_551 = arith.constant 48 : index
        %get3A_552 = tpu.vector_load %arg13[%get3A_550, %get3A_551] {strides = array<i32>} : memref<256x64xf32, #tpu.memory_space<vmem>>, vector<1x16xf32>,
        %get3A_553 = vector.shape_cast %get3A_552 : vector<1x16xf32> to vector<1x16xf32>
        %mul3A_554 = arith.constant 1.600000e+01 : f32
        %mul3A_555 = vector.broadcast %mul3A_554 : f32 to vector<1x16xf32>
        %mul3A_556 = arith.mulf %get3A_553, %mul3A_555 : vector<1x16xf32>
        %get3A_557 = arith.index_cast %add3A_549 : i32 to index
        %get3A_558 = arith.constant 48 : index
        %get3A_559 = tpu.vector_load %arg15[%get3A_557, %get3A_558] {strides = array<i32>} : memref<256x64xf32, #tpu.memory_space<vmem>>, vector<1x16xf32>,
        %get3A_560 = vector.shape_cast %get3A_559 : vector<1x16xf32> to vector<1x16xf32>
        %add3A_561 = arith.addf %mul3A_556, %get3A_560 : vector<1x16xf32>
        %reshape3A_562 = vector.shape_cast %add3A_561 : vector<1x16xf32> to vector<16xf32>
        %add3A_563 = arith.constant 3 : i32
        %add3A_564 = arith.addi %add3A_175, %add3A_563 : i32
        %mul3A_565 = arith.constant 64 : i32
        %mul3A_566 = arith.muli %add3A_564, %mul3A_565 : i32
        %add3A_567 = arith.constant 48 : i32
        %add3A_568 = arith.addi %mul3A_566, %add3A_567 : i32
        %swap3A_569 = arith.index_cast %add3A_568 : i32 to index
        %swap3A_570 = tpu.vector_load %arg17[%swap3A_569] {strides = array<i32>} : memref<16384xf32, #tpu.memory_space<vmem>>, vector<16xf32>,
        %swap3A_571 = vector.shape_cast %swap3A_570 : vector<16xf32> to vector<16xf32>
        %swap3A_572 = vector.shape_cast %reshape3A_562 : vector<16xf32> to vector<16xf32>
        tpu.vector_store %arg17[%swap3A_569], %swap3A_572 {strides = array<i32>} : memref<16384xf32, #tpu.memory_space<vmem>>, vector<16xf32>,
      }
      %scan3A_103 = arith.constant 64 : i32
      %mul3A_104 = arith.constant 256 : i32
      %mul3A_105 = arith.muli %add3A_58, %mul3A_104 : i32
      %add3A_106 = arith.addi %mul3A_2, %mul3A_105 : i32
      %mul3A_107 = arith.constant 64 : i32
      %mul3A_108 = arith.muli %add3A_106, %mul3A_107 : i32
      %dma_start3A_109 = tpu.memref_slice %arg6[%mul3A_108] : memref<52428800xf32, #tpu.memory_space<hbm>> -> memref<16384xf32, #tpu.memory_space<hbm>>
      %dma_start3A_110 = tpu.memref_slice %arg6[%mul3A_108] : memref<52428800xf32, #tpu.memory_space<hbm>> -> memref<16384xf32, #tpu.memory_space<hbm>>
      tpu.enqueue_dma source(%arg17 : memref<16384xf32, #tpu.memory_space<vmem>>) target(%dma_start3A_110 : memref<16384xf32, #tpu.memory_space<hbm>>) target_semaphore(%arg21 : memref<!tpu.dma_semaphore, #tpu.memory_space<semaphore_mem>>)
      %mul3A_111 = arith.constant 2 : i32
      %mul3A_112 = arith.muli %mul3A_111, %add3A_54 : i32
      %add3A_113 = arith.constant 1 : i32
      %add3A_114 = arith.addi %mul3A_112, %add3A_113 : i32
      %add3A_115 = arith.constant 1 : i32
      %add3A_116 = arith.addi %add3A_114, %add3A_115 : i32
      %ge3A_117 = arith.constant 1 : i32
      %ge3A_118 = arith.cmpi sge, %add3A_114, %ge3A_117 : i32
      %convert_element_type3A_119 = arith.extui %ge3A_118 : i1 to i32
      %cond3A_120 = arith.constant 0 : i32
      %cond3A_121 = arith.cmpi ne, %convert_element_type3A_119, %cond3A_120 : i32
      scf.if %cond3A_121 {
        %sub3A = arith.constant 1 : i32
        %sub3A_171 = arith.subi %add3A_114, %sub3A : i32
        %mul3A_172 = arith.constant 256 : i32
        %mul3A_173 = arith.muli %sub3A_171, %mul3A_172 : i32
        %add3A_174 = arith.addi %mul3A_2, %mul3A_173 : i32
        %mul3A_175 = arith.constant 64 : i32
        %mul3A_176 = arith.muli %add3A_174, %mul3A_175 : i32
        %dma_wait3A_177 = tpu.memref_slice %arg6[%mul3A_176] : memref<52428800xf32, #tpu.memory_space<hbm>> -> memref<16384xf32, #tpu.memory_space<hbm>>
        %dma_wait3A_178 = tpu.memref_slice %arg6[%mul3A_176] : memref<52428800xf32, #tpu.memory_space<hbm>> -> memref<16384xf32, #tpu.memory_space<hbm>>
        tpu.wait_dma2 semaphore(%arg21 : memref<!tpu.dma_semaphore, #tpu.memory_space<semaphore_mem>>) src(%arg17 : memref<16384xf32, #tpu.memory_space<vmem>>) dst(%dma_wait3A_178 : memref<16384xf32, #tpu.memory_space<hbm>>)
      } else {
      }
      %lt3A_122 = arith.constant 100 : i32
      %lt3A_123 = arith.cmpi slt, %add3A_116, %lt3A_122 : i32
      %convert_element_type3A_124 = arith.extui %lt3A_123 : i1 to i32
      %cond3A_125 = arith.constant 0 : i32
      %cond3A_126 = arith.cmpi ne, %convert_element_type3A_124, %cond3A_125 : i32
      scf.if %cond3A_126 {
        %mul3A_171 = arith.constant 256 : i32
        %mul3A_172 = arith.muli %add3A_116, %mul3A_171 : i32
        %add3A_173 = arith.addi %mul3A_2, %mul3A_172 : i32
        "tpu.region"() ({
          %run_scoped3A = tpu.sem_alloc : memref<!tpu.dma_semaphore, #tpu.memory_space<semaphore_mem>>
          %dma_start3A_211 = tpu.memref_slice %arg4[%add3A_173] : memref<819200xi32, #tpu.memory_space<hbm>> -> memref<256xi32, #tpu.memory_space<hbm>>
          %dma_start3A_212 = tpu.memref_slice %arg4[%add3A_173] : memref<819200xi32, #tpu.memory_space<hbm>> -> memref<256xi32, #tpu.memory_space<hbm>>
          tpu.enqueue_dma source(%dma_start3A_212 : memref<256xi32, #tpu.memory_space<hbm>>) target(%arg7 : memref<256xi32, #tpu.memory_space<vmem>>) target_semaphore(%run_scoped3A : memref<!tpu.dma_semaphore, #tpu.memory_space<semaphore_mem>>)
          %dma_wait3A_213 = tpu.memref_slice %arg4[%add3A_173] : memref<819200xi32, #tpu.memory_space<hbm>> -> memref<256xi32, #tpu.memory_space<hbm>>
          %dma_wait3A_214 = tpu.memref_slice %arg4[%add3A_173] : memref<819200xi32, #tpu.memory_space<hbm>> -> memref<256xi32, #tpu.memory_space<hbm>>
          tpu.wait_dma2 semaphore(%run_scoped3A : memref<!tpu.dma_semaphore, #tpu.memory_space<semaphore_mem>>) src(%dma_wait3A_214 : memref<256xi32, #tpu.memory_space<hbm>>) dst(%arg7 : memref<256xi32, #tpu.memory_space<vmem>>)
          tpu.yield
        }) : () -> ()
        "tpu.region"() ({
          %run_scoped3A = tpu.sem_alloc : memref<!tpu.dma_semaphore, #tpu.memory_space<semaphore_mem>>
          %dma_start3A_211 = tpu.memref_slice %arg5[%add3A_173] : memref<819200xi32, #tpu.memory_space<hbm>> -> memref<256xi32, #tpu.memory_space<hbm>>
          %dma_start3A_212 = tpu.memref_slice %arg5[%add3A_173] : memref<819200xi32, #tpu.memory_space<hbm>> -> memref<256xi32, #tpu.memory_space<hbm>>
          tpu.enqueue_dma source(%dma_start3A_212 : memref<256xi32, #tpu.memory_space<hbm>>) target(%arg9 : memref<256xi32, #tpu.memory_space<vmem>>) target_semaphore(%run_scoped3A : memref<!tpu.dma_semaphore, #tpu.memory_space<semaphore_mem>>)
          %dma_wait3A_213 = tpu.memref_slice %arg5[%add3A_173] : memref<819200xi32, #tpu.memory_space<hbm>> -> memref<256xi32, #tpu.memory_space<hbm>>
          %dma_wait3A_214 = tpu.memref_slice %arg5[%add3A_173] : memref<819200xi32, #tpu.memory_space<hbm>> -> memref<256xi32, #tpu.memory_space<hbm>>
          tpu.wait_dma2 semaphore(%run_scoped3A : memref<!tpu.dma_semaphore, #tpu.memory_space<semaphore_mem>>) src(%dma_wait3A_214 : memref<256xi32, #tpu.memory_space<hbm>>) dst(%arg9 : memref<256xi32, #tpu.memory_space<vmem>>)
          tpu.yield
        }) : () -> ()
        %scan3A_174 = arith.constant 0 : i32
        %scan3A_175 = arith.constant 16 : i32
        %scan3A_176 = arith.addi %scan3A_174, %scan3A_175 : i32
        %scan3A_177 = arith.constant 1 : i32
        scf.for %scan3A_211 = %scan3A_174 to %scan3A_176 step %scan3A_177  : i32 {
          %mul3A_212 = arith.constant 16 : i32
          %mul3A_213 = arith.muli %scan3A_211, %mul3A_212 : i32
          %add3A_214 = arith.constant 0 : i32
          %add3A_215 = arith.addi %add3A_214, %mul3A_213 : i32
          %add3A_216 = arith.addi %add3A_173, %add3A_215 : i32
          %add3A_217 = vector.broadcast %add3A_216 : i32 to vector<16xi32>
          %add3A_218 = arith.addi %add3A_217, %iota3A : vector<16xi32>
          %get3A = arith.index_cast %add3A_215 : i32 to index
          %get3A_219 = tpu.vector_load %arg9[%get3A] {strides = array<i32>} : memref<256xi32, #tpu.memory_space<vmem>>, vector<16xi32>,
          %get3A_220 = vector.shape_cast %get3A_219 : vector<16xi32> to vector<16xi32>
          %mul3A_221 = arith.constant 200 : i32
          %mul3A_222 = vector.broadcast %mul3A_221 : i32 to vector<16xi32>
          %mul3A_223 = arith.muli %get3A_220, %mul3A_222 : vector<16xi32>
          %rem3A = arith.constant 200 : i32
          %rem3A_224 = vector.broadcast %rem3A : i32 to vector<16xi32>
          %rem3A_225 = arith.remsi %add3A_218, %rem3A_224 : vector<16xi32>
          %add3A_226 = arith.addi %mul3A_223, %rem3A_225 : vector<16xi32>
          %swap3A = arith.index_cast %add3A_215 : i32 to index
          %swap3A_227 = tpu.vector_load %arg11[%swap3A] {strides = array<i32>} : memref<256xi32, #tpu.memory_space<vmem>>, vector<16xi32>,
          %swap3A_228 = vector.shape_cast %swap3A_227 : vector<16xi32> to vector<16xi32>
          %swap3A_229 = vector.shape_cast %add3A_226 : vector<16xi32> to vector<16xi32>
          tpu.vector_store %arg11[%swap3A], %swap3A_229 {strides = array<i32>} : memref<256xi32, #tpu.memory_space<vmem>>, vector<16xi32>,
        }
        %scan3A_178 = arith.constant 16 : i32
        %dma_start3A_179 = arith.constant 0 : i32
        %dma_start3A_180 = arith.constant 0 : i32
        %dma_start3A_181 = tpu.memref_slice %arg13[%dma_start3A_179, %dma_start3A_180] : memref<256x64xf32, #tpu.memory_space<vmem>> -> memref<128x64xf32, #tpu.memory_space<vmem>>
        %dma_start3A_182 = arith.constant 0 : i32
        %dma_start3A_183 = tpu.memref_slice %arg7[%dma_start3A_182] : memref<256xi32, #tpu.memory_space<vmem>> -> memref<128xi32, #tpu.memory_space<vmem>>
        %dma_start3A_184 = arith.constant 0 : i32
        %dma_start3A_185 = arith.constant 0 : i32
        %dma_start3A_186 = tpu.memref_slice %arg2[%dma_start3A_184, %dma_start3A_185] : memref<1000000x64xf32, #tpu.memory_space<hbm>> -> memref<1000000x64xf32, #tpu.memory_space<hbm>>
        tpu.enqueue_indirect_dma source(%dma_start3A_186 : memref<1000000x64xf32, #tpu.memory_space<hbm>>) target(%dma_start3A_181 : memref<128x64xf32, #tpu.memory_space<vmem>>) offsets(%dma_start3A_183 : memref<128xi32, #tpu.memory_space<vmem>>) semaphore(%arg19 : memref<!tpu.dma_semaphore, #tpu.memory_space<semaphore_mem>>)
        %dma_start3A_187 = arith.constant 0 : i32
        %dma_start3A_188 = arith.constant 0 : i32
        %dma_start3A_189 = tpu.memref_slice %arg15[%dma_start3A_187, %dma_start3A_188] : memref<256x64xf32, #tpu.memory_space<vmem>> -> memref<128x64xf32, #tpu.memory_space<vmem>>
        %dma_start3A_190 = arith.constant 0 : i32
        %dma_start3A_191 = tpu.memref_slice %arg11[%dma_start3A_190] : memref<256xi32, #tpu.memory_space<vmem>> -> memref<128xi32, #tpu.memory_space<vmem>>
        %dma_start3A_192 = arith.constant 0 : i32
        %dma_start3A_193 = arith.constant 0 : i32
        %dma_start3A_194 = tpu.memref_slice %arg3[%dma_start3A_192, %dma_start3A_193] : memref<600x64xf32, #tpu.memory_space<hbm>> -> memref<600x64xf32, #tpu.memory_space<hbm>>
        tpu.enqueue_indirect_dma source(%dma_start3A_194 : memref<600x64xf32, #tpu.memory_space<hbm>>) target(%dma_start3A_189 : memref<128x64xf32, #tpu.memory_space<vmem>>) offsets(%dma_start3A_191 : memref<128xi32, #tpu.memory_space<vmem>>) semaphore(%arg19 : memref<!tpu.dma_semaphore, #tpu.memory_space<semaphore_mem>>)
        %dma_start3A_195 = arith.constant 128 : i32
        %dma_start3A_196 = arith.constant 0 : i32
        %dma_start3A_197 = tpu.memref_slice %arg13[%dma_start3A_195, %dma_start3A_196] : memref<256x64xf32, #tpu.memory_space<vmem>> -> memref<128x64xf32, #tpu.memory_space<vmem>>
        %dma_start3A_198 = arith.constant 128 : i32
        %dma_start3A_199 = tpu.memref_slice %arg7[%dma_start3A_198] : memref<256xi32, #tpu.memory_space<vmem>> -> memref<128xi32, #tpu.memory_space<vmem>>
        %dma_start3A_200 = arith.constant 0 : i32
        %dma_start3A_201 = arith.constant 0 : i32
        %dma_start3A_202 = tpu.memref_slice %arg2[%dma_start3A_200, %dma_start3A_201] : memref<1000000x64xf32, #tpu.memory_space<hbm>> -> memref<1000000x64xf32, #tpu.memory_space<hbm>>
        tpu.enqueue_indirect_dma source(%dma_start3A_202 : memref<1000000x64xf32, #tpu.memory_space<hbm>>) target(%dma_start3A_197 : memref<128x64xf32, #tpu.memory_space<vmem>>) offsets(%dma_start3A_199 : memref<128xi32, #tpu.memory_space<vmem>>) semaphore(%arg19 : memref<!tpu.dma_semaphore, #tpu.memory_space<semaphore_mem>>)
        %dma_start3A_203 = arith.constant 128 : i32
        %dma_start3A_204 = arith.constant 0 : i32
        %dma_start3A_205 = tpu.memref_slice %arg15[%dma_start3A_203, %dma_start3A_204] : memref<256x64xf32, #tpu.memory_space<vmem>> -> memref<128x64xf32, #tpu.memory_space<vmem>>
        %dma_start3A_206 = arith.constant 128 : i32
        %dma_start3A_207 = tpu.memref_slice %arg11[%dma_start3A_206] : memref<256xi32, #tpu.memory_space<vmem>> -> memref<128xi32, #tpu.memory_space<vmem>>
        %dma_start3A_208 = arith.constant 0 : i32
        %dma_start3A_209 = arith.constant 0 : i32
        %dma_start3A_210 = tpu.memref_slice %arg3[%dma_start3A_208, %dma_start3A_209] : memref<600x64xf32, #tpu.memory_space<hbm>> -> memref<600x64xf32, #tpu.memory_space<hbm>>
        tpu.enqueue_indirect_dma source(%dma_start3A_210 : memref<600x64xf32, #tpu.memory_space<hbm>>) target(%dma_start3A_205 : memref<128x64xf32, #tpu.memory_space<vmem>>) offsets(%dma_start3A_207 : memref<128xi32, #tpu.memory_space<vmem>>) semaphore(%arg19 : memref<!tpu.dma_semaphore, #tpu.memory_space<semaphore_mem>>)
      } else {
      }
      %dma_wait3A_127 = arith.constant 0 : i32
      %dma_wait3A_128 = arith.constant 0 : i32
      %dma_wait3A_129 = tpu.memref_slice %arg14[%dma_wait3A_127, %dma_wait3A_128] : memref<256x64xf32, #tpu.memory_space<vmem>> -> memref<128x64xf32, #tpu.memory_space<vmem>>
      %dma_wait3A_130 = arith.constant 0 : i32
      %dma_wait3A_131 = tpu.memref_slice %arg8[%dma_wait3A_130] : memref<256xi32, #tpu.memory_space<vmem>> -> memref<128xi32, #tpu.memory_space<vmem>>
      %dma_wait3A_132 = arith.constant 0 : i32
      %dma_wait3A_133 = arith.constant 0 : i32
      %dma_wait3A_134 = tpu.memref_slice %arg2[%dma_wait3A_132, %dma_wait3A_133] : memref<1000000x64xf32, #tpu.memory_space<hbm>> -> memref<1000000x64xf32, #tpu.memory_space<hbm>>
      tpu.wait_indirect_dma semaphore(%arg20 : memref<!tpu.dma_semaphore, #tpu.memory_space<semaphore_mem>>) src(%dma_wait3A_134 : memref<1000000x64xf32, #tpu.memory_space<hbm>>) dst(%dma_wait3A_129 : memref<128x64xf32, #tpu.memory_space<vmem>>)
      %dma_wait3A_135 = arith.constant 0 : i32
      %dma_wait3A_136 = arith.constant 0 : i32
      %dma_wait3A_137 = tpu.memref_slice %arg16[%dma_wait3A_135, %dma_wait3A_136] : memref<256x64xf32, #tpu.memory_space<vmem>> -> memref<128x64xf32, #tpu.memory_space<vmem>>
      %dma_wait3A_138 = arith.constant 0 : i32
      %dma_wait3A_139 = tpu.memref_slice %arg12[%dma_wait3A_138] : memref<256xi32, #tpu.memory_space<vmem>> -> memref<128xi32, #tpu.memory_space<vmem>>
      %dma_wait3A_140 = arith.constant 0 : i32
      %dma_wait3A_141 = arith.constant 0 : i32
      %dma_wait3A_142 = tpu.memref_slice %arg3[%dma_wait3A_140, %dma_wait3A_141] : memref<600x64xf32, #tpu.memory_space<hbm>> -> memref<600x64xf32, #tpu.memory_space<hbm>>
      tpu.wait_indirect_dma semaphore(%arg20 : memref<!tpu.dma_semaphore, #tpu.memory_space<semaphore_mem>>) src(%dma_wait3A_142 : memref<600x64xf32, #tpu.memory_space<hbm>>) dst(%dma_wait3A_137 : memref<128x64xf32, #tpu.memory_space<vmem>>)
      %dma_wait3A_143 = arith.constant 128 : i32
      %dma_wait3A_144 = arith.constant 0 : i32
      %dma_wait3A_145 = tpu.memref_slice %arg14[%dma_wait3A_143, %dma_wait3A_144] : memref<256x64xf32, #tpu.memory_space<vmem>> -> memref<128x64xf32, #tpu.memory_space<vmem>>
      %dma_wait3A_146 = arith.constant 128 : i32
      %dma_wait3A_147 = tpu.memref_slice %arg8[%dma_wait3A_146] : memref<256xi32, #tpu.memory_space<vmem>> -> memref<128xi32, #tpu.memory_space<vmem>>
      %dma_wait3A_148 = arith.constant 0 : i32
      %dma_wait3A_149 = arith.constant 0 : i32
      %dma_wait3A_150 = tpu.memref_slice %arg2[%dma_wait3A_148, %dma_wait3A_149] : memref<1000000x64xf32, #tpu.memory_space<hbm>> -> memref<1000000x64xf32, #tpu.memory_space<hbm>>
      tpu.wait_indirect_dma semaphore(%arg20 : memref<!tpu.dma_semaphore, #tpu.memory_space<semaphore_mem>>) src(%dma_wait3A_150 : memref<1000000x64xf32, #tpu.memory_space<hbm>>) dst(%dma_wait3A_145 : memref<128x64xf32, #tpu.memory_space<vmem>>)
      %dma_wait3A_151 = arith.constant 128 : i32
      %dma_wait3A_152 = arith.constant 0 : i32
      %dma_wait3A_153 = tpu.memref_slice %arg16[%dma_wait3A_151, %dma_wait3A_152] : memref<256x64xf32, #tpu.memory_space<vmem>> -> memref<128x64xf32, #tpu.memory_space<vmem>>
      %dma_wait3A_154 = arith.constant 128 : i32
      %dma_wait3A_155 = tpu.memref_slice %arg12[%dma_wait3A_154] : memref<256xi32, #tpu.memory_space<vmem>> -> memref<128xi32, #tpu.memory_space<vmem>>
      %dma_wait3A_156 = arith.constant 0 : i32
      %dma_wait3A_157 = arith.constant 0 : i32
      %dma_wait3A_158 = tpu.memref_slice %arg3[%dma_wait3A_156, %dma_wait3A_157] : memref<600x64xf32, #tpu.memory_space<hbm>> -> memref<600x64xf32, #tpu.memory_space<hbm>>
      tpu.wait_indirect_dma semaphore(%arg20 : memref<!tpu.dma_semaphore, #tpu.memory_space<semaphore_mem>>) src(%dma_wait3A_158 : memref<600x64xf32, #tpu.memory_space<hbm>>) dst(%dma_wait3A_153 : memref<128x64xf32, #tpu.memory_space<vmem>>)
      %scan3A_159 = arith.constant 0 : i32
      %scan3A_160 = arith.constant 64 : i32
      %scan3A_161 = arith.addi %scan3A_159, %scan3A_160 : i32
      %scan3A_162 = arith.constant 1 : i32
      scf.for %scan3A_171 = %scan3A_159 to %scan3A_161 step %scan3A_162  : i32 {
        %mul3A_172 = arith.constant 4 : i32
        %mul3A_173 = arith.muli %scan3A_171, %mul3A_172 : i32
        %add3A_174 = arith.constant 0 : i32
        %add3A_175 = arith.addi %add3A_174, %mul3A_173 : i32
        %add3A_176 = arith.constant 0 : i32
        %add3A_177 = arith.addi %add3A_175, %add3A_176 : i32
        %get3A = arith.index_cast %add3A_177 : i32 to index
        %get3A_178 = arith.constant 0 : index
        %get3A_179 = tpu.vector_load %arg14[%get3A, %get3A_178] {strides = array<i32>} : memref<256x64xf32, #tpu.memory_space<vmem>>, vector<1x16xf32>,
        %get3A_180 = vector.shape_cast %get3A_179 : vector<1x16xf32> to vector<1x16xf32>
        %mul3A_181 = arith.constant 1.600000e+01 : f32
        %mul3A_182 = vector.broadcast %mul3A_181 : f32 to vector<1x16xf32>
        %mul3A_183 = arith.mulf %get3A_180, %mul3A_182 : vector<1x16xf32>
        %get3A_184 = arith.index_cast %add3A_177 : i32 to index
        %get3A_185 = arith.constant 0 : index
        %get3A_186 = tpu.vector_load %arg16[%get3A_184, %get3A_185] {strides = array<i32>} : memref<256x64xf32, #tpu.memory_space<vmem>>, vector<1x16xf32>,
        %get3A_187 = vector.shape_cast %get3A_186 : vector<1x16xf32> to vector<1x16xf32>
        %add3A_188 = arith.addf %mul3A_183, %get3A_187 : vector<1x16xf32>
        %reshape3A = vector.shape_cast %add3A_188 : vector<1x16xf32> to vector<16xf32>
        %add3A_189 = arith.constant 0 : i32
        %add3A_190 = arith.addi %add3A_175, %add3A_189 : i32
        %mul3A_191 = arith.constant 64 : i32
        %mul3A_192 = arith.muli %add3A_190, %mul3A_191 : i32
        %add3A_193 = arith.constant 0 : i32
        %add3A_194 = arith.addi %mul3A_192, %add3A_193 : i32
        %swap3A = arith.index_cast %add3A_194 : i32 to index
        %swap3A_195 = tpu.vector_load %arg18[%swap3A] {strides = array<i32>} : memref<16384xf32, #tpu.memory_space<vmem>>, vector<16xf32>,
        %swap3A_196 = vector.shape_cast %swap3A_195 : vector<16xf32> to vector<16xf32>
        %swap3A_197 = vector.shape_cast %reshape3A : vector<16xf32> to vector<16xf32>
        tpu.vector_store %arg18[%swap3A], %swap3A_197 {strides = array<i32>} : memref<16384xf32, #tpu.memory_space<vmem>>, vector<16xf32>,
        %add3A_198 = arith.constant 0 : i32
        %add3A_199 = arith.addi %add3A_175, %add3A_198 : i32
        %get3A_200 = arith.index_cast %add3A_199 : i32 to index
        %get3A_201 = arith.constant 16 : index
        %get3A_202 = tpu.vector_load %arg14[%get3A_200, %get3A_201] {strides = array<i32>} : memref<256x64xf32, #tpu.memory_space<vmem>>, vector<1x16xf32>,
        %get3A_203 = vector.shape_cast %get3A_202 : vector<1x16xf32> to vector<1x16xf32>
        %mul3A_204 = arith.constant 1.600000e+01 : f32
        %mul3A_205 = vector.broadcast %mul3A_204 : f32 to vector<1x16xf32>
        %mul3A_206 = arith.mulf %get3A_203, %mul3A_205 : vector<1x16xf32>
        %get3A_207 = arith.index_cast %add3A_199 : i32 to index
        %get3A_208 = arith.constant 16 : index
        %get3A_209 = tpu.vector_load %arg16[%get3A_207, %get3A_208] {strides = array<i32>} : memref<256x64xf32, #tpu.memory_space<vmem>>, vector<1x16xf32>,
        %get3A_210 = vector.shape_cast %get3A_209 : vector<1x16xf32> to vector<1x16xf32>
        %add3A_211 = arith.addf %mul3A_206, %get3A_210 : vector<1x16xf32>
        %reshape3A_212 = vector.shape_cast %add3A_211 : vector<1x16xf32> to vector<16xf32>
        %add3A_213 = arith.constant 0 : i32
        %add3A_214 = arith.addi %add3A_175, %add3A_213 : i32
        %mul3A_215 = arith.constant 64 : i32
        %mul3A_216 = arith.muli %add3A_214, %mul3A_215 : i32
        %add3A_217 = arith.constant 16 : i32
        %add3A_218 = arith.addi %mul3A_216, %add3A_217 : i32
        %swap3A_219 = arith.index_cast %add3A_218 : i32 to index
        %swap3A_220 = tpu.vector_load %arg18[%swap3A_219] {strides = array<i32>} : memref<16384xf32, #tpu.memory_space<vmem>>, vector<16xf32>,
        %swap3A_221 = vector.shape_cast %swap3A_220 : vector<16xf32> to vector<16xf32>
        %swap3A_222 = vector.shape_cast %reshape3A_212 : vector<16xf32> to vector<16xf32>
        tpu.vector_store %arg18[%swap3A_219], %swap3A_222 {strides = array<i32>} : memref<16384xf32, #tpu.memory_space<vmem>>, vector<16xf32>,
        %add3A_223 = arith.constant 0 : i32
        %add3A_224 = arith.addi %add3A_175, %add3A_223 : i32
        %get3A_225 = arith.index_cast %add3A_224 : i32 to index
        %get3A_226 = arith.constant 32 : index
        %get3A_227 = tpu.vector_load %arg14[%get3A_225, %get3A_226] {strides = array<i32>} : memref<256x64xf32, #tpu.memory_space<vmem>>, vector<1x16xf32>,
        %get3A_228 = vector.shape_cast %get3A_227 : vector<1x16xf32> to vector<1x16xf32>
        %mul3A_229 = arith.constant 1.600000e+01 : f32
        %mul3A_230 = vector.broadcast %mul3A_229 : f32 to vector<1x16xf32>
        %mul3A_231 = arith.mulf %get3A_228, %mul3A_230 : vector<1x16xf32>
        %get3A_232 = arith.index_cast %add3A_224 : i32 to index
        %get3A_233 = arith.constant 32 : index
        %get3A_234 = tpu.vector_load %arg16[%get3A_232, %get3A_233] {strides = array<i32>} : memref<256x64xf32, #tpu.memory_space<vmem>>, vector<1x16xf32>,
        %get3A_235 = vector.shape_cast %get3A_234 : vector<1x16xf32> to vector<1x16xf32>
        %add3A_236 = arith.addf %mul3A_231, %get3A_235 : vector<1x16xf32>
        %reshape3A_237 = vector.shape_cast %add3A_236 : vector<1x16xf32> to vector<16xf32>
        %add3A_238 = arith.constant 0 : i32
        %add3A_239 = arith.addi %add3A_175, %add3A_238 : i32
        %mul3A_240 = arith.constant 64 : i32
        %mul3A_241 = arith.muli %add3A_239, %mul3A_240 : i32
        %add3A_242 = arith.constant 32 : i32
        %add3A_243 = arith.addi %mul3A_241, %add3A_242 : i32
        %swap3A_244 = arith.index_cast %add3A_243 : i32 to index
        %swap3A_245 = tpu.vector_load %arg18[%swap3A_244] {strides = array<i32>} : memref<16384xf32, #tpu.memory_space<vmem>>, vector<16xf32>,
        %swap3A_246 = vector.shape_cast %swap3A_245 : vector<16xf32> to vector<16xf32>
        %swap3A_247 = vector.shape_cast %reshape3A_237 : vector<16xf32> to vector<16xf32>
        tpu.vector_store %arg18[%swap3A_244], %swap3A_247 {strides = array<i32>} : memref<16384xf32, #tpu.memory_space<vmem>>, vector<16xf32>,
        %add3A_248 = arith.constant 0 : i32
        %add3A_249 = arith.addi %add3A_175, %add3A_248 : i32
        %get3A_250 = arith.index_cast %add3A_249 : i32 to index
        %get3A_251 = arith.constant 48 : index
        %get3A_252 = tpu.vector_load %arg14[%get3A_250, %get3A_251] {strides = array<i32>} : memref<256x64xf32, #tpu.memory_space<vmem>>, vector<1x16xf32>,
        %get3A_253 = vector.shape_cast %get3A_252 : vector<1x16xf32> to vector<1x16xf32>
        %mul3A_254 = arith.constant 1.600000e+01 : f32
        %mul3A_255 = vector.broadcast %mul3A_254 : f32 to vector<1x16xf32>
        %mul3A_256 = arith.mulf %get3A_253, %mul3A_255 : vector<1x16xf32>
        %get3A_257 = arith.index_cast %add3A_249 : i32 to index
        %get3A_258 = arith.constant 48 : index
        %get3A_259 = tpu.vector_load %arg16[%get3A_257, %get3A_258] {strides = array<i32>} : memref<256x64xf32, #tpu.memory_space<vmem>>, vector<1x16xf32>,
        %get3A_260 = vector.shape_cast %get3A_259 : vector<1x16xf32> to vector<1x16xf32>
        %add3A_261 = arith.addf %mul3A_256, %get3A_260 : vector<1x16xf32>
        %reshape3A_262 = vector.shape_cast %add3A_261 : vector<1x16xf32> to vector<16xf32>
        %add3A_263 = arith.constant 0 : i32
        %add3A_264 = arith.addi %add3A_175, %add3A_263 : i32
        %mul3A_265 = arith.constant 64 : i32
        %mul3A_266 = arith.muli %add3A_264, %mul3A_265 : i32
        %add3A_267 = arith.constant 48 : i32
        %add3A_268 = arith.addi %mul3A_266, %add3A_267 : i32
        %swap3A_269 = arith.index_cast %add3A_268 : i32 to index
        %swap3A_270 = tpu.vector_load %arg18[%swap3A_269] {strides = array<i32>} : memref<16384xf32, #tpu.memory_space<vmem>>, vector<16xf32>,
        %swap3A_271 = vector.shape_cast %swap3A_270 : vector<16xf32> to vector<16xf32>
        %swap3A_272 = vector.shape_cast %reshape3A_262 : vector<16xf32> to vector<16xf32>
        tpu.vector_store %arg18[%swap3A_269], %swap3A_272 {strides = array<i32>} : memref<16384xf32, #tpu.memory_space<vmem>>, vector<16xf32>,
        %add3A_273 = arith.constant 1 : i32
        %add3A_274 = arith.addi %add3A_175, %add3A_273 : i32
        %get3A_275 = arith.index_cast %add3A_274 : i32 to index
        %get3A_276 = arith.constant 0 : index
        %get3A_277 = tpu.vector_load %arg14[%get3A_275, %get3A_276] {strides = array<i32>} : memref<256x64xf32, #tpu.memory_space<vmem>>, vector<1x16xf32>,
        %get3A_278 = vector.shape_cast %get3A_277 : vector<1x16xf32> to vector<1x16xf32>
        %mul3A_279 = arith.constant 1.600000e+01 : f32
        %mul3A_280 = vector.broadcast %mul3A_279 : f32 to vector<1x16xf32>
        %mul3A_281 = arith.mulf %get3A_278, %mul3A_280 : vector<1x16xf32>
        %get3A_282 = arith.index_cast %add3A_274 : i32 to index
        %get3A_283 = arith.constant 0 : index
        %get3A_284 = tpu.vector_load %arg16[%get3A_282, %get3A_283] {strides = array<i32>} : memref<256x64xf32, #tpu.memory_space<vmem>>, vector<1x16xf32>,
        %get3A_285 = vector.shape_cast %get3A_284 : vector<1x16xf32> to vector<1x16xf32>
        %add3A_286 = arith.addf %mul3A_281, %get3A_285 : vector<1x16xf32>
        %reshape3A_287 = vector.shape_cast %add3A_286 : vector<1x16xf32> to vector<16xf32>
        %add3A_288 = arith.constant 1 : i32
        %add3A_289 = arith.addi %add3A_175, %add3A_288 : i32
        %mul3A_290 = arith.constant 64 : i32
        %mul3A_291 = arith.muli %add3A_289, %mul3A_290 : i32
        %add3A_292 = arith.constant 0 : i32
        %add3A_293 = arith.addi %mul3A_291, %add3A_292 : i32
        %swap3A_294 = arith.index_cast %add3A_293 : i32 to index
        %swap3A_295 = tpu.vector_load %arg18[%swap3A_294] {strides = array<i32>} : memref<16384xf32, #tpu.memory_space<vmem>>, vector<16xf32>,
        %swap3A_296 = vector.shape_cast %swap3A_295 : vector<16xf32> to vector<16xf32>
        %swap3A_297 = vector.shape_cast %reshape3A_287 : vector<16xf32> to vector<16xf32>
        tpu.vector_store %arg18[%swap3A_294], %swap3A_297 {strides = array<i32>} : memref<16384xf32, #tpu.memory_space<vmem>>, vector<16xf32>,
        %add3A_298 = arith.constant 1 : i32
        %add3A_299 = arith.addi %add3A_175, %add3A_298 : i32
        %get3A_300 = arith.index_cast %add3A_299 : i32 to index
        %get3A_301 = arith.constant 16 : index
        %get3A_302 = tpu.vector_load %arg14[%get3A_300, %get3A_301] {strides = array<i32>} : memref<256x64xf32, #tpu.memory_space<vmem>>, vector<1x16xf32>,
        %get3A_303 = vector.shape_cast %get3A_302 : vector<1x16xf32> to vector<1x16xf32>
        %mul3A_304 = arith.constant 1.600000e+01 : f32
        %mul3A_305 = vector.broadcast %mul3A_304 : f32 to vector<1x16xf32>
        %mul3A_306 = arith.mulf %get3A_303, %mul3A_305 : vector<1x16xf32>
        %get3A_307 = arith.index_cast %add3A_299 : i32 to index
        %get3A_308 = arith.constant 16 : index
        %get3A_309 = tpu.vector_load %arg16[%get3A_307, %get3A_308] {strides = array<i32>} : memref<256x64xf32, #tpu.memory_space<vmem>>, vector<1x16xf32>,
        %get3A_310 = vector.shape_cast %get3A_309 : vector<1x16xf32> to vector<1x16xf32>
        %add3A_311 = arith.addf %mul3A_306, %get3A_310 : vector<1x16xf32>
        %reshape3A_312 = vector.shape_cast %add3A_311 : vector<1x16xf32> to vector<16xf32>
        %add3A_313 = arith.constant 1 : i32
        %add3A_314 = arith.addi %add3A_175, %add3A_313 : i32
        %mul3A_315 = arith.constant 64 : i32
        %mul3A_316 = arith.muli %add3A_314, %mul3A_315 : i32
        %add3A_317 = arith.constant 16 : i32
        %add3A_318 = arith.addi %mul3A_316, %add3A_317 : i32
        %swap3A_319 = arith.index_cast %add3A_318 : i32 to index
        %swap3A_320 = tpu.vector_load %arg18[%swap3A_319] {strides = array<i32>} : memref<16384xf32, #tpu.memory_space<vmem>>, vector<16xf32>,
        %swap3A_321 = vector.shape_cast %swap3A_320 : vector<16xf32> to vector<16xf32>
        %swap3A_322 = vector.shape_cast %reshape3A_312 : vector<16xf32> to vector<16xf32>
        tpu.vector_store %arg18[%swap3A_319], %swap3A_322 {strides = array<i32>} : memref<16384xf32, #tpu.memory_space<vmem>>, vector<16xf32>,
        %add3A_323 = arith.constant 1 : i32
        %add3A_324 = arith.addi %add3A_175, %add3A_323 : i32
        %get3A_325 = arith.index_cast %add3A_324 : i32 to index
        %get3A_326 = arith.constant 32 : index
        %get3A_327 = tpu.vector_load %arg14[%get3A_325, %get3A_326] {strides = array<i32>} : memref<256x64xf32, #tpu.memory_space<vmem>>, vector<1x16xf32>,
        %get3A_328 = vector.shape_cast %get3A_327 : vector<1x16xf32> to vector<1x16xf32>
        %mul3A_329 = arith.constant 1.600000e+01 : f32
        %mul3A_330 = vector.broadcast %mul3A_329 : f32 to vector<1x16xf32>
        %mul3A_331 = arith.mulf %get3A_328, %mul3A_330 : vector<1x16xf32>
        %get3A_332 = arith.index_cast %add3A_324 : i32 to index
        %get3A_333 = arith.constant 32 : index
        %get3A_334 = tpu.vector_load %arg16[%get3A_332, %get3A_333] {strides = array<i32>} : memref<256x64xf32, #tpu.memory_space<vmem>>, vector<1x16xf32>,
        %get3A_335 = vector.shape_cast %get3A_334 : vector<1x16xf32> to vector<1x16xf32>
        %add3A_336 = arith.addf %mul3A_331, %get3A_335 : vector<1x16xf32>
        %reshape3A_337 = vector.shape_cast %add3A_336 : vector<1x16xf32> to vector<16xf32>
        %add3A_338 = arith.constant 1 : i32
        %add3A_339 = arith.addi %add3A_175, %add3A_338 : i32
        %mul3A_340 = arith.constant 64 : i32
        %mul3A_341 = arith.muli %add3A_339, %mul3A_340 : i32
        %add3A_342 = arith.constant 32 : i32
        %add3A_343 = arith.addi %mul3A_341, %add3A_342 : i32
        %swap3A_344 = arith.index_cast %add3A_343 : i32 to index
        %swap3A_345 = tpu.vector_load %arg18[%swap3A_344] {strides = array<i32>} : memref<16384xf32, #tpu.memory_space<vmem>>, vector<16xf32>,
        %swap3A_346 = vector.shape_cast %swap3A_345 : vector<16xf32> to vector<16xf32>
        %swap3A_347 = vector.shape_cast %reshape3A_337 : vector<16xf32> to vector<16xf32>
        tpu.vector_store %arg18[%swap3A_344], %swap3A_347 {strides = array<i32>} : memref<16384xf32, #tpu.memory_space<vmem>>, vector<16xf32>,
        %add3A_348 = arith.constant 1 : i32
        %add3A_349 = arith.addi %add3A_175, %add3A_348 : i32
        %get3A_350 = arith.index_cast %add3A_349 : i32 to index
        %get3A_351 = arith.constant 48 : index
        %get3A_352 = tpu.vector_load %arg14[%get3A_350, %get3A_351] {strides = array<i32>} : memref<256x64xf32, #tpu.memory_space<vmem>>, vector<1x16xf32>,
        %get3A_353 = vector.shape_cast %get3A_352 : vector<1x16xf32> to vector<1x16xf32>
        %mul3A_354 = arith.constant 1.600000e+01 : f32
        %mul3A_355 = vector.broadcast %mul3A_354 : f32 to vector<1x16xf32>
        %mul3A_356 = arith.mulf %get3A_353, %mul3A_355 : vector<1x16xf32>
        %get3A_357 = arith.index_cast %add3A_349 : i32 to index
        %get3A_358 = arith.constant 48 : index
        %get3A_359 = tpu.vector_load %arg16[%get3A_357, %get3A_358] {strides = array<i32>} : memref<256x64xf32, #tpu.memory_space<vmem>>, vector<1x16xf32>,
        %get3A_360 = vector.shape_cast %get3A_359 : vector<1x16xf32> to vector<1x16xf32>
        %add3A_361 = arith.addf %mul3A_356, %get3A_360 : vector<1x16xf32>
        %reshape3A_362 = vector.shape_cast %add3A_361 : vector<1x16xf32> to vector<16xf32>
        %add3A_363 = arith.constant 1 : i32
        %add3A_364 = arith.addi %add3A_175, %add3A_363 : i32
        %mul3A_365 = arith.constant 64 : i32
        %mul3A_366 = arith.muli %add3A_364, %mul3A_365 : i32
        %add3A_367 = arith.constant 48 : i32
        %add3A_368 = arith.addi %mul3A_366, %add3A_367 : i32
        %swap3A_369 = arith.index_cast %add3A_368 : i32 to index
        %swap3A_370 = tpu.vector_load %arg18[%swap3A_369] {strides = array<i32>} : memref<16384xf32, #tpu.memory_space<vmem>>, vector<16xf32>,
        %swap3A_371 = vector.shape_cast %swap3A_370 : vector<16xf32> to vector<16xf32>
        %swap3A_372 = vector.shape_cast %reshape3A_362 : vector<16xf32> to vector<16xf32>
        tpu.vector_store %arg18[%swap3A_369], %swap3A_372 {strides = array<i32>} : memref<16384xf32, #tpu.memory_space<vmem>>, vector<16xf32>,
        %add3A_373 = arith.constant 2 : i32
        %add3A_374 = arith.addi %add3A_175, %add3A_373 : i32
        %get3A_375 = arith.index_cast %add3A_374 : i32 to index
        %get3A_376 = arith.constant 0 : index
        %get3A_377 = tpu.vector_load %arg14[%get3A_375, %get3A_376] {strides = array<i32>} : memref<256x64xf32, #tpu.memory_space<vmem>>, vector<1x16xf32>,
        %get3A_378 = vector.shape_cast %get3A_377 : vector<1x16xf32> to vector<1x16xf32>
        %mul3A_379 = arith.constant 1.600000e+01 : f32
        %mul3A_380 = vector.broadcast %mul3A_379 : f32 to vector<1x16xf32>
        %mul3A_381 = arith.mulf %get3A_378, %mul3A_380 : vector<1x16xf32>
        %get3A_382 = arith.index_cast %add3A_374 : i32 to index
        %get3A_383 = arith.constant 0 : index
        %get3A_384 = tpu.vector_load %arg16[%get3A_382, %get3A_383] {strides = array<i32>} : memref<256x64xf32, #tpu.memory_space<vmem>>, vector<1x16xf32>,
        %get3A_385 = vector.shape_cast %get3A_384 : vector<1x16xf32> to vector<1x16xf32>
        %add3A_386 = arith.addf %mul3A_381, %get3A_385 : vector<1x16xf32>
        %reshape3A_387 = vector.shape_cast %add3A_386 : vector<1x16xf32> to vector<16xf32>
        %add3A_388 = arith.constant 2 : i32
        %add3A_389 = arith.addi %add3A_175, %add3A_388 : i32
        %mul3A_390 = arith.constant 64 : i32
        %mul3A_391 = arith.muli %add3A_389, %mul3A_390 : i32
        %add3A_392 = arith.constant 0 : i32
        %add3A_393 = arith.addi %mul3A_391, %add3A_392 : i32
        %swap3A_394 = arith.index_cast %add3A_393 : i32 to index
        %swap3A_395 = tpu.vector_load %arg18[%swap3A_394] {strides = array<i32>} : memref<16384xf32, #tpu.memory_space<vmem>>, vector<16xf32>,
        %swap3A_396 = vector.shape_cast %swap3A_395 : vector<16xf32> to vector<16xf32>
        %swap3A_397 = vector.shape_cast %reshape3A_387 : vector<16xf32> to vector<16xf32>
        tpu.vector_store %arg18[%swap3A_394], %swap3A_397 {strides = array<i32>} : memref<16384xf32, #tpu.memory_space<vmem>>, vector<16xf32>,
        %add3A_398 = arith.constant 2 : i32
        %add3A_399 = arith.addi %add3A_175, %add3A_398 : i32
        %get3A_400 = arith.index_cast %add3A_399 : i32 to index
        %get3A_401 = arith.constant 16 : index
        %get3A_402 = tpu.vector_load %arg14[%get3A_400, %get3A_401] {strides = array<i32>} : memref<256x64xf32, #tpu.memory_space<vmem>>, vector<1x16xf32>,
        %get3A_403 = vector.shape_cast %get3A_402 : vector<1x16xf32> to vector<1x16xf32>
        %mul3A_404 = arith.constant 1.600000e+01 : f32
        %mul3A_405 = vector.broadcast %mul3A_404 : f32 to vector<1x16xf32>
        %mul3A_406 = arith.mulf %get3A_403, %mul3A_405 : vector<1x16xf32>
        %get3A_407 = arith.index_cast %add3A_399 : i32 to index
        %get3A_408 = arith.constant 16 : index
        %get3A_409 = tpu.vector_load %arg16[%get3A_407, %get3A_408] {strides = array<i32>} : memref<256x64xf32, #tpu.memory_space<vmem>>, vector<1x16xf32>,
        %get3A_410 = vector.shape_cast %get3A_409 : vector<1x16xf32> to vector<1x16xf32>
        %add3A_411 = arith.addf %mul3A_406, %get3A_410 : vector<1x16xf32>
        %reshape3A_412 = vector.shape_cast %add3A_411 : vector<1x16xf32> to vector<16xf32>
        %add3A_413 = arith.constant 2 : i32
        %add3A_414 = arith.addi %add3A_175, %add3A_413 : i32
        %mul3A_415 = arith.constant 64 : i32
        %mul3A_416 = arith.muli %add3A_414, %mul3A_415 : i32
        %add3A_417 = arith.constant 16 : i32
        %add3A_418 = arith.addi %mul3A_416, %add3A_417 : i32
        %swap3A_419 = arith.index_cast %add3A_418 : i32 to index
        %swap3A_420 = tpu.vector_load %arg18[%swap3A_419] {strides = array<i32>} : memref<16384xf32, #tpu.memory_space<vmem>>, vector<16xf32>,
        %swap3A_421 = vector.shape_cast %swap3A_420 : vector<16xf32> to vector<16xf32>
        %swap3A_422 = vector.shape_cast %reshape3A_412 : vector<16xf32> to vector<16xf32>
        tpu.vector_store %arg18[%swap3A_419], %swap3A_422 {strides = array<i32>} : memref<16384xf32, #tpu.memory_space<vmem>>, vector<16xf32>,
        %add3A_423 = arith.constant 2 : i32
        %add3A_424 = arith.addi %add3A_175, %add3A_423 : i32
        %get3A_425 = arith.index_cast %add3A_424 : i32 to index
        %get3A_426 = arith.constant 32 : index
        %get3A_427 = tpu.vector_load %arg14[%get3A_425, %get3A_426] {strides = array<i32>} : memref<256x64xf32, #tpu.memory_space<vmem>>, vector<1x16xf32>,
        %get3A_428 = vector.shape_cast %get3A_427 : vector<1x16xf32> to vector<1x16xf32>
        %mul3A_429 = arith.constant 1.600000e+01 : f32
        %mul3A_430 = vector.broadcast %mul3A_429 : f32 to vector<1x16xf32>
        %mul3A_431 = arith.mulf %get3A_428, %mul3A_430 : vector<1x16xf32>
        %get3A_432 = arith.index_cast %add3A_424 : i32 to index
        %get3A_433 = arith.constant 32 : index
        %get3A_434 = tpu.vector_load %arg16[%get3A_432, %get3A_433] {strides = array<i32>} : memref<256x64xf32, #tpu.memory_space<vmem>>, vector<1x16xf32>,
        %get3A_435 = vector.shape_cast %get3A_434 : vector<1x16xf32> to vector<1x16xf32>
        %add3A_436 = arith.addf %mul3A_431, %get3A_435 : vector<1x16xf32>
        %reshape3A_437 = vector.shape_cast %add3A_436 : vector<1x16xf32> to vector<16xf32>
        %add3A_438 = arith.constant 2 : i32
        %add3A_439 = arith.addi %add3A_175, %add3A_438 : i32
        %mul3A_440 = arith.constant 64 : i32
        %mul3A_441 = arith.muli %add3A_439, %mul3A_440 : i32
        %add3A_442 = arith.constant 32 : i32
        %add3A_443 = arith.addi %mul3A_441, %add3A_442 : i32
        %swap3A_444 = arith.index_cast %add3A_443 : i32 to index
        %swap3A_445 = tpu.vector_load %arg18[%swap3A_444] {strides = array<i32>} : memref<16384xf32, #tpu.memory_space<vmem>>, vector<16xf32>,
        %swap3A_446 = vector.shape_cast %swap3A_445 : vector<16xf32> to vector<16xf32>
        %swap3A_447 = vector.shape_cast %reshape3A_437 : vector<16xf32> to vector<16xf32>
        tpu.vector_store %arg18[%swap3A_444], %swap3A_447 {strides = array<i32>} : memref<16384xf32, #tpu.memory_space<vmem>>, vector<16xf32>,
        %add3A_448 = arith.constant 2 : i32
        %add3A_449 = arith.addi %add3A_175, %add3A_448 : i32
        %get3A_450 = arith.index_cast %add3A_449 : i32 to index
        %get3A_451 = arith.constant 48 : index
        %get3A_452 = tpu.vector_load %arg14[%get3A_450, %get3A_451] {strides = array<i32>} : memref<256x64xf32, #tpu.memory_space<vmem>>, vector<1x16xf32>,
        %get3A_453 = vector.shape_cast %get3A_452 : vector<1x16xf32> to vector<1x16xf32>
        %mul3A_454 = arith.constant 1.600000e+01 : f32
        %mul3A_455 = vector.broadcast %mul3A_454 : f32 to vector<1x16xf32>
        %mul3A_456 = arith.mulf %get3A_453, %mul3A_455 : vector<1x16xf32>
        %get3A_457 = arith.index_cast %add3A_449 : i32 to index
        %get3A_458 = arith.constant 48 : index
        %get3A_459 = tpu.vector_load %arg16[%get3A_457, %get3A_458] {strides = array<i32>} : memref<256x64xf32, #tpu.memory_space<vmem>>, vector<1x16xf32>,
        %get3A_460 = vector.shape_cast %get3A_459 : vector<1x16xf32> to vector<1x16xf32>
        %add3A_461 = arith.addf %mul3A_456, %get3A_460 : vector<1x16xf32>
        %reshape3A_462 = vector.shape_cast %add3A_461 : vector<1x16xf32> to vector<16xf32>
        %add3A_463 = arith.constant 2 : i32
        %add3A_464 = arith.addi %add3A_175, %add3A_463 : i32
        %mul3A_465 = arith.constant 64 : i32
        %mul3A_466 = arith.muli %add3A_464, %mul3A_465 : i32
        %add3A_467 = arith.constant 48 : i32
        %add3A_468 = arith.addi %mul3A_466, %add3A_467 : i32
        %swap3A_469 = arith.index_cast %add3A_468 : i32 to index
        %swap3A_470 = tpu.vector_load %arg18[%swap3A_469] {strides = array<i32>} : memref<16384xf32, #tpu.memory_space<vmem>>, vector<16xf32>,
        %swap3A_471 = vector.shape_cast %swap3A_470 : vector<16xf32> to vector<16xf32>
        %swap3A_472 = vector.shape_cast %reshape3A_462 : vector<16xf32> to vector<16xf32>
        tpu.vector_store %arg18[%swap3A_469], %swap3A_472 {strides = array<i32>} : memref<16384xf32, #tpu.memory_space<vmem>>, vector<16xf32>,
        %add3A_473 = arith.constant 3 : i32
        %add3A_474 = arith.addi %add3A_175, %add3A_473 : i32
        %get3A_475 = arith.index_cast %add3A_474 : i32 to index
        %get3A_476 = arith.constant 0 : index
        %get3A_477 = tpu.vector_load %arg14[%get3A_475, %get3A_476] {strides = array<i32>} : memref<256x64xf32, #tpu.memory_space<vmem>>, vector<1x16xf32>,
        %get3A_478 = vector.shape_cast %get3A_477 : vector<1x16xf32> to vector<1x16xf32>
        %mul3A_479 = arith.constant 1.600000e+01 : f32
        %mul3A_480 = vector.broadcast %mul3A_479 : f32 to vector<1x16xf32>
        %mul3A_481 = arith.mulf %get3A_478, %mul3A_480 : vector<1x16xf32>
        %get3A_482 = arith.index_cast %add3A_474 : i32 to index
        %get3A_483 = arith.constant 0 : index
        %get3A_484 = tpu.vector_load %arg16[%get3A_482, %get3A_483] {strides = array<i32>} : memref<256x64xf32, #tpu.memory_space<vmem>>, vector<1x16xf32>,
        %get3A_485 = vector.shape_cast %get3A_484 : vector<1x16xf32> to vector<1x16xf32>
        %add3A_486 = arith.addf %mul3A_481, %get3A_485 : vector<1x16xf32>
        %reshape3A_487 = vector.shape_cast %add3A_486 : vector<1x16xf32> to vector<16xf32>
        %add3A_488 = arith.constant 3 : i32
        %add3A_489 = arith.addi %add3A_175, %add3A_488 : i32
        %mul3A_490 = arith.constant 64 : i32
        %mul3A_491 = arith.muli %add3A_489, %mul3A_490 : i32
        %add3A_492 = arith.constant 0 : i32
        %add3A_493 = arith.addi %mul3A_491, %add3A_492 : i32
        %swap3A_494 = arith.index_cast %add3A_493 : i32 to index
        %swap3A_495 = tpu.vector_load %arg18[%swap3A_494] {strides = array<i32>} : memref<16384xf32, #tpu.memory_space<vmem>>, vector<16xf32>,
        %swap3A_496 = vector.shape_cast %swap3A_495 : vector<16xf32> to vector<16xf32>
        %swap3A_497 = vector.shape_cast %reshape3A_487 : vector<16xf32> to vector<16xf32>
        tpu.vector_store %arg18[%swap3A_494], %swap3A_497 {strides = array<i32>} : memref<16384xf32, #tpu.memory_space<vmem>>, vector<16xf32>,
        %add3A_498 = arith.constant 3 : i32
        %add3A_499 = arith.addi %add3A_175, %add3A_498 : i32
        %get3A_500 = arith.index_cast %add3A_499 : i32 to index
        %get3A_501 = arith.constant 16 : index
        %get3A_502 = tpu.vector_load %arg14[%get3A_500, %get3A_501] {strides = array<i32>} : memref<256x64xf32, #tpu.memory_space<vmem>>, vector<1x16xf32>,
        %get3A_503 = vector.shape_cast %get3A_502 : vector<1x16xf32> to vector<1x16xf32>
        %mul3A_504 = arith.constant 1.600000e+01 : f32
        %mul3A_505 = vector.broadcast %mul3A_504 : f32 to vector<1x16xf32>
        %mul3A_506 = arith.mulf %get3A_503, %mul3A_505 : vector<1x16xf32>
        %get3A_507 = arith.index_cast %add3A_499 : i32 to index
        %get3A_508 = arith.constant 16 : index
        %get3A_509 = tpu.vector_load %arg16[%get3A_507, %get3A_508] {strides = array<i32>} : memref<256x64xf32, #tpu.memory_space<vmem>>, vector<1x16xf32>,
        %get3A_510 = vector.shape_cast %get3A_509 : vector<1x16xf32> to vector<1x16xf32>
        %add3A_511 = arith.addf %mul3A_506, %get3A_510 : vector<1x16xf32>
        %reshape3A_512 = vector.shape_cast %add3A_511 : vector<1x16xf32> to vector<16xf32>
        %add3A_513 = arith.constant 3 : i32
        %add3A_514 = arith.addi %add3A_175, %add3A_513 : i32
        %mul3A_515 = arith.constant 64 : i32
        %mul3A_516 = arith.muli %add3A_514, %mul3A_515 : i32
        %add3A_517 = arith.constant 16 : i32
        %add3A_518 = arith.addi %mul3A_516, %add3A_517 : i32
        %swap3A_519 = arith.index_cast %add3A_518 : i32 to index
        %swap3A_520 = tpu.vector_load %arg18[%swap3A_519] {strides = array<i32>} : memref<16384xf32, #tpu.memory_space<vmem>>, vector<16xf32>,
        %swap3A_521 = vector.shape_cast %swap3A_520 : vector<16xf32> to vector<16xf32>
        %swap3A_522 = vector.shape_cast %reshape3A_512 : vector<16xf32> to vector<16xf32>
        tpu.vector_store %arg18[%swap3A_519], %swap3A_522 {strides = array<i32>} : memref<16384xf32, #tpu.memory_space<vmem>>, vector<16xf32>,
        %add3A_523 = arith.constant 3 : i32
        %add3A_524 = arith.addi %add3A_175, %add3A_523 : i32
        %get3A_525 = arith.index_cast %add3A_524 : i32 to index
        %get3A_526 = arith.constant 32 : index
        %get3A_527 = tpu.vector_load %arg14[%get3A_525, %get3A_526] {strides = array<i32>} : memref<256x64xf32, #tpu.memory_space<vmem>>, vector<1x16xf32>,
        %get3A_528 = vector.shape_cast %get3A_527 : vector<1x16xf32> to vector<1x16xf32>
        %mul3A_529 = arith.constant 1.600000e+01 : f32
        %mul3A_530 = vector.broadcast %mul3A_529 : f32 to vector<1x16xf32>
        %mul3A_531 = arith.mulf %get3A_528, %mul3A_530 : vector<1x16xf32>
        %get3A_532 = arith.index_cast %add3A_524 : i32 to index
        %get3A_533 = arith.constant 32 : index
        %get3A_534 = tpu.vector_load %arg16[%get3A_532, %get3A_533] {strides = array<i32>} : memref<256x64xf32, #tpu.memory_space<vmem>>, vector<1x16xf32>,
        %get3A_535 = vector.shape_cast %get3A_534 : vector<1x16xf32> to vector<1x16xf32>
        %add3A_536 = arith.addf %mul3A_531, %get3A_535 : vector<1x16xf32>
        %reshape3A_537 = vector.shape_cast %add3A_536 : vector<1x16xf32> to vector<16xf32>
        %add3A_538 = arith.constant 3 : i32
        %add3A_539 = arith.addi %add3A_175, %add3A_538 : i32
        %mul3A_540 = arith.constant 64 : i32
        %mul3A_541 = arith.muli %add3A_539, %mul3A_540 : i32
        %add3A_542 = arith.constant 32 : i32
        %add3A_543 = arith.addi %mul3A_541, %add3A_542 : i32
        %swap3A_544 = arith.index_cast %add3A_543 : i32 to index
        %swap3A_545 = tpu.vector_load %arg18[%swap3A_544] {strides = array<i32>} : memref<16384xf32, #tpu.memory_space<vmem>>, vector<16xf32>,
        %swap3A_546 = vector.shape_cast %swap3A_545 : vector<16xf32> to vector<16xf32>
        %swap3A_547 = vector.shape_cast %reshape3A_537 : vector<16xf32> to vector<16xf32>
        tpu.vector_store %arg18[%swap3A_544], %swap3A_547 {strides = array<i32>} : memref<16384xf32, #tpu.memory_space<vmem>>, vector<16xf32>,
        %add3A_548 = arith.constant 3 : i32
        %add3A_549 = arith.addi %add3A_175, %add3A_548 : i32
        %get3A_550 = arith.index_cast %add3A_549 : i32 to index
        %get3A_551 = arith.constant 48 : index
        %get3A_552 = tpu.vector_load %arg14[%get3A_550, %get3A_551] {strides = array<i32>} : memref<256x64xf32, #tpu.memory_space<vmem>>, vector<1x16xf32>,
        %get3A_553 = vector.shape_cast %get3A_552 : vector<1x16xf32> to vector<1x16xf32>
        %mul3A_554 = arith.constant 1.600000e+01 : f32
        %mul3A_555 = vector.broadcast %mul3A_554 : f32 to vector<1x16xf32>
        %mul3A_556 = arith.mulf %get3A_553, %mul3A_555 : vector<1x16xf32>
        %get3A_557 = arith.index_cast %add3A_549 : i32 to index
        %get3A_558 = arith.constant 48 : index
        %get3A_559 = tpu.vector_load %arg16[%get3A_557, %get3A_558] {strides = array<i32>} : memref<256x64xf32, #tpu.memory_space<vmem>>, vector<1x16xf32>,
        %get3A_560 = vector.shape_cast %get3A_559 : vector<1x16xf32> to vector<1x16xf32>
        %add3A_561 = arith.addf %mul3A_556, %get3A_560 : vector<1x16xf32>
        %reshape3A_562 = vector.shape_cast %add3A_561 : vector<1x16xf32> to vector<16xf32>
        %add3A_563 = arith.constant 3 : i32
        %add3A_564 = arith.addi %add3A_175, %add3A_563 : i32
        %mul3A_565 = arith.constant 64 : i32
        %mul3A_566 = arith.muli %add3A_564, %mul3A_565 : i32
        %add3A_567 = arith.constant 48 : i32
        %add3A_568 = arith.addi %mul3A_566, %add3A_567 : i32
        %swap3A_569 = arith.index_cast %add3A_568 : i32 to index
        %swap3A_570 = tpu.vector_load %arg18[%swap3A_569] {strides = array<i32>} : memref<16384xf32, #tpu.memory_space<vmem>>, vector<16xf32>,
        %swap3A_571 = vector.shape_cast %swap3A_570 : vector<16xf32> to vector<16xf32>
        %swap3A_572 = vector.shape_cast %reshape3A_562 : vector<16xf32> to vector<16xf32>
        tpu.vector_store %arg18[%swap3A_569], %swap3A_572 {strides = array<i32>} : memref<16384xf32, #tpu.memory_space<vmem>>, vector<16xf32>,
      }
      %scan3A_163 = arith.constant 64 : i32
      %mul3A_164 = arith.constant 256 : i32
      %mul3A_165 = arith.muli %add3A_114, %mul3A_164 : i32
      %add3A_166 = arith.addi %mul3A_2, %mul3A_165 : i32
      %mul3A_167 = arith.constant 64 : i32
      %mul3A_168 = arith.muli %add3A_166, %mul3A_167 : i32
      %dma_start3A_169 = tpu.memref_slice %arg6[%mul3A_168] : memref<52428800xf32, #tpu.memory_space<hbm>> -> memref<16384xf32, #tpu.memory_space<hbm>>
      %dma_start3A_170 = tpu.memref_slice %arg6[%mul3A_168] : memref<52428800xf32, #tpu.memory_space<hbm>> -> memref<16384xf32, #tpu.memory_space<hbm>>
      tpu.enqueue_dma source(%arg18 : memref<16384xf32, #tpu.memory_space<vmem>>) target(%dma_start3A_170 : memref<16384xf32, #tpu.memory_space<hbm>>) target_semaphore(%arg22 : memref<!tpu.dma_semaphore, #tpu.memory_space<semaphore_mem>>)
    }
    %scan3A_44 = arith.constant 50 : i32
    %add3A_45 = arith.constant 25344 : i32
    %add3A_46 = arith.addi %mul3A_2, %add3A_45 : i32
    %mul3A_47 = arith.constant 64 : i32
    %mul3A_48 = arith.muli %add3A_46, %mul3A_47 : i32
    %dma_wait3A = tpu.memref_slice %arg6[%mul3A_48] : memref<52428800xf32, #tpu.memory_space<hbm>> -> memref<16384xf32, #tpu.memory_space<hbm>>
    %dma_wait3A_49 = tpu.memref_slice %arg6[%mul3A_48] : memref<52428800xf32, #tpu.memory_space<hbm>> -> memref<16384xf32, #tpu.memory_space<hbm>>
    tpu.wait_dma2 semaphore(%arg22 : memref<!tpu.dma_semaphore, #tpu.memory_space<semaphore_mem>>) src(%arg18 : memref<16384xf32, #tpu.memory_space<vmem>>) dst(%dma_wait3A_49 : memref<16384xf32, #tpu.memory_space<hbm>>)
    return
  }
}

</mosaic_0001>

<sc_bundles>
// kernel: kernel.3.cloned.1.call-start
scs
__scs_entry_jumppad:
0x0: {  	(pc) =	sbr.rel $0x88, $3  }
0x1: {  	(tag) =	ssettag $0x0;
	lr =	simm.s32 $0x1  }
0x2: {  	[smem:$0x3F9D] =	sst lr;
	_ =	strace $0xD0000000  }
0x3: {  	_ = 	snop  }
0x4: {  	_ = 	snop  }
0x5: {  	_ = 	snop  }
0x6: {  	_ = 	snop  }
0x7: {  	_ = 	snop  }
__scs_overlays_trampoline_lowered:
0x8: {  	[smem:$0x3FAC] =	sst s0  }
0x9: {  	[smem:$0x3FAD] =	sst s1  }
0xa: {  	[smem:$0x3FAE] =	sst s2  }
0xb: {  	[smem:$0x3FAF] =	sst s3  }
0xc: {  	[smem:$0x3FB0] =	sst s4  }
0xd: {  	[smem:$0x3FB1] =	sst s5  }
0xe: {  	[smem:$0x3FB2] =	sst s6  }
0xf: {  	[smem:$0x3FB3] =	sst s7  }
0x10: {  	[smem:$0x3FB4] =	sst s8  }
0x11: {  	[smem:$0x3FB5] =	sst s9;
	s0 =	simm.s32 @!p0 $0x0  }
0x12: {  	s1 =	sld [smem:$0x3F9B];
	s0 =	simm.s32 @p0 $0x1  }
0x13: {  	[smem:$0x3FB6] =	sst s0;
	s0 =	simm.s32 @!p1 $0x0  }
0x14: {  	s2 =	sld [smem:$0x3F9A];
	s0 =	simm.s32 @p1 $0x1  }
0x15: {  	[smem:$0x3FB7] =	sst s0;
	s0 =	simm.s32 @!p2 $0x0  }
0x16: {  	s3 =	sld [smem:$0x3FDB];
	s0 =	simm.s32 @p2 $0x1  }
0x17: {  	s4 =	simm.s32 $0x1BF5;
	[smem:$0x3FB9] =	sst s0  }
0x18: {  	s0 =	sld [smem:$0x3F9C];
	_ =	swait.ge [sflag:s4], $0x0  }
0x19: {  	s7 =	sld [smem:$0x3F9D]  }
0x1a: {  	s8 =	sadd.s32 $0xFFFFE003, lr  }
0x1b: {  	s9 =	sadd.s32 $0xFFFFFEF7, lr;
	s5 =	simm.s32 $0xFFFFFFFF;
	p2 =	slt.u32 s8, $0xFFFFF086  }
0x1c: {  	p1 =	slt.u32 s9, $0xF7A;
	s5 =	simm.s32 @!p2 $0x0  }
0x1d: {  	s5 =	simm.s32 @p1 $0x1;
	p0 =	seq.s32 s7, s2  }
0x1e: {  	s7 =	smul.u32 @!p0 $0xF7A, s2;
	p2 =	seq.s32 @!p0 s5, $0x0  }
0x1f: {  	s9 =	smul.u32 $0xF7A, s1;
	s8 =	simm.s32 @!p0 $0x1BF5;
	p2 =	por !p2, p0  }
0x20: {  	[sflag:s8] =	ssyncset.s32 @!p0 $0xFFFFF086;
	s6 =	sadd.s32 @!p0 s3, s7;
	s7 =	simm.s32 @!p0 $0x108  }
0x21: {  	s3 =	sadd.s32 s3, s9;
	s6 =	sadd.s32 @!p0 $0x88, s6;
	s7 =	simm.s32 @p2 $0x1082  }
0x22: {  	[simem:s7], [sflag:s8] =	dma.local @!p0 [hbm:s6], $0xF7A  }
0x23: {  	s9 =	sor.u32 $0xD0000000, s2;
	s6 =	simm.s32 $0x108;
	_ =	swait.ge @!p0 [sflag:s8], $0x0  }
0x24: {  	s3 =	sadd.s32 $0x88, s3;
	s6 =	simm.s32 @!p1 $0x1082;
	[sflag:s4] =	ssyncset.s32 $0xFFFFF086  }
0x25: {  	[simem:s6], [sflag:s4] =	dma.local [hbm:s3], $0xF7A  }
0x26: {  	[smem:$0x3F9D] =	sst s1;
	(tag) =	ssettag s2;
	_ =	strace s9  }
0x27: {  	s1 =	sld [smem:$0x3FAD]  }
0x28: {  	s2 =	sld [smem:$0x3FAE]  }
0x29: {  	s4 =	sld [smem:$0x3FB0]  }
0x2a: {  	p0 =	seq.s32 s5, $0x0;
	s5 =	sld [smem:$0x3FB1]  }
0x2b: {  	s6 =	sld [smem:$0x3FB2]  }
0x2c: {  	s7 =	sld [smem:$0x3FB3]  }
0x2d: {  	s3 =	simm.s32 $0x108;
	s8 =	sld [smem:$0x3FB4]  }
0x2e: {  	s3 =	simm.s32 @!p0 $0x1082;
	s9 =	sld [smem:$0x3FB5]  }
0x2f: {  	lr =	sadd.s32 s0, s3;
	s0 =	sld [smem:$0x3FAC]  }
0x30: {  	s3 =	sld [smem:$0x3FAF]  }
0x31: {  	[smem:$0x3FB8] =	sst s10  }
0x32: {  	s10 =	sld [smem:$0x3FB6];
	_ =	sdelay $0x3  }
0x33: {  	p0 =	seq.s32 s10, $0x1;
	s10 =	sld [smem:$0x3FB8];
	_ =	sdelay $0x3  }
0x34: {  	[smem:$0x3FB8] =	sst s10  }
0x35: {  	s10 =	sld [smem:$0x3FB7];
	_ =	sdelay $0x3  }
0x36: {  	p1 =	seq.s32 s10, $0x1;
	s10 =	sld [smem:$0x3FB8];
	_ =	sdelay $0x3  }
0x37: {  	[smem:$0x3FB8] =	sst s10  }
0x38: {  	s10 =	sld [smem:$0x3FB9]  }
0x39: {  	_ = 	snop;
	(pc) =	sbr.ind lr, $3  }
0x3a: {  	_ = 	snop  }
0x3b: {  	_ = 	snop  }
0x3c: {  	p2 =	seq.s32 s10, $0x1;
	s10 =	sld [smem:$0x3FB8]  }
0x3d: {  	_ =	shalt  }
0x3e: {  	_ =	shalt  }
0x3f: {  	_ =	shalt  }
0x40: {  	_ =	shalt  }
0x41: {  	_ =	shalt  }
0x42: {  	_ =	shalt  }
0x43: {  	_ =	shalt  }
0x44: {  	_ =	shalt  }
0x45: {  	_ =	shalt  }
0x46: {  	_ =	shalt  }
0x47: {  	_ =	shalt  }
0x48: {  	_ =	shalt  }
0x49: {  	_ =	shalt  }
0x4a: {  	_ =	shalt  }
0x4b: {  	_ =	shalt  }
0x4c: {  	_ =	shalt  }
0x4d: {  	_ =	shalt  }
0x4e: {  	_ =	shalt  }
0x4f: {  	_ =	shalt  }
0x50: {  	_ =	shalt  }
0x51: {  	_ =	shalt  }
0x52: {  	_ =	shalt  }
0x53: {  	_ =	shalt  }
0x54: {  	_ =	shalt  }
0x55: {  	_ =	shalt  }
0x56: {  	_ =	shalt  }
0x57: {  	_ =	shalt  }
0x58: {  	_ =	shalt  }
0x59: {  	_ =	shalt  }
0x5a: {  	_ =	shalt  }
0x5b: {  	_ =	shalt  }
0x5c: {  	_ =	shalt  }
0x5d: {  	_ =	shalt  }
0x5e: {  	_ =	shalt  }
0x5f: {  	_ =	shalt  }
0x60: {  	_ =	shalt  }
0x61: {  	_ =	shalt  }
0x62: {  	_ =	shalt  }
0x63: {  	_ =	shalt  }
0x64: {  	_ =	shalt  }
0x65: {  	_ =	shalt  }
0x66: {  	_ =	shalt  }
0x67: {  	_ =	shalt  }
0x68: {  	_ =	shalt  }
0x69: {  	_ =	shalt  }
0x6a: {  	_ =	shalt  }
0x6b: {  	_ =	shalt  }
0x6c: {  	_ =	shalt  }
0x6d: {  	_ =	shalt  }
0x6e: {  	_ =	shalt  }
0x6f: {  	_ =	shalt  }
0x70: {  	_ =	shalt  }
0x71: {  	_ =	shalt  }
0x72: {  	_ =	shalt  }
0x73: {  	_ =	shalt  }
0x74: {  	_ =	shalt  }
0x75: {  	_ =	shalt  }
0x76: {  	_ =	shalt  }
0x77: {  	_ =	shalt  }
0x78: {  	_ =	shalt  }
0x79: {  	_ =	shalt  }
0x7a: {  	_ =	shalt  }
0x7b: {  	_ =	shalt  }
0x7c: {  	_ =	shalt  }
0x7d: {  	_ =	shalt  }
0x7e: {  	_ =	shalt  }
0x7f: {  	_ =	shalt  }
0x80: {  	_ =	shalt  }
0x81: {  	_ =	shalt  }
0x82: {  	_ =	shalt  }
0x83: {  	_ =	shalt  }
0x84: {  	_ =	shalt  }
0x85: {  	_ =	shalt  }
0x86: {  	_ =	shalt  }
0x87: {  	_ =	shalt  }
.Lfunc_end0:
.L_simem_size_0:
called_computation.1_lowered:
.L_overlay_start_0:
0x88: {  	s2 =	sld [smem:$0x3FD9]  }
0x89: {  	s3 =	sld [smem:$0x3FFE];
	_ =	sdelay $0x1  }
0x8a: {  	s1 =	srdreg.scid  }
0x8b: {  	s0 =	sand.u32 $0x1, s1  }
0x8c: {  	s17 =	sshll.u32 s0, $0xA;
	s2 =	sadd.s32 s3, s2  }
0x8d: {  	s2 =	sadd.s32 s2, s17  }
0x8e: {  	[smem:$0x3FC4] =	sst s2  }
0x8f: {  	_ = 	snop  }
0x90: {  	s2 =	sld [smem:$0x3FD0];
	(tm) =	ssettm $0x1  }
0x91: {  	s18 =	sld [smem:$0x3FFB];
	_ =	sdelay $0x3  }
0x92: {  	_ =	strace s18  }
0x93: {  	s3 =	sld [smem:$0x3FFC];
	_ =	sdelay $0x3  }
0x94: {  	_ =	strace s3  }
0x95: {  	s3 =	sld [smem:$0x3FFD];
	_ =	sdelay $0x3  }
0x96: {  	_ =	strace s3  }
0x97: {  	_ =	strace $0x8FFFFFFF  }
0x98: {  	s19 =	sld [smem:$0x3FDB];
	_ =	sdelay $0x1  }
0x99: {  	s4 =	simm.s32 $_scs_section_size  }
0x9a: {  	s5 =	simm.s32 $_size__tile_overlayer_lowered;
	s6 =	simm.s32 $_tile_overlayer_lowered  }
0x9b: {  	s22 =	simm.s32 $0x1BFF;
	s21 =	sshll.u32 s6, $0x1;
	s3 =	sadd.s32 s4, s19  }
0x9c: {  	s7 =	simm.s32 $0x0;
	s20 =	sshll.u32 s5, $0x1;
	s5 =	sadd.s32 s21, s3  }
0x9d: {  	[timem:s7], [sflag:s22] =	dma.local [hbm:s5], s20  }
0x9e: {  	_ =	swait.ge [sflag:s22], s20  }
0x9f: {  	s4 =	ssub.s32 $0x0, s20;
	[sflag:s22] =	ssyncset.done $0x0  }
0xa0: {  	[sflag:s22] =	ssyncadd.s32 s4;
	_ =	sdelay $0x1  }
0xa1: {  	s23 =	simm.s32 $0x1B8B  }
0xa2: {  	_ =	swait.ge [sflag:s23], $0x1  }
0xa3: {  	[sflag:s23] =	ssyncset.done $0x0  }
0xa4: {  	s25 =	simm.s32 $0x1B8E;
	s24 =	sld [smem:$0x3FFE];
	[sflag:s23] =	ssyncadd.s32 $0xFFFFFFFF  }
0xa5: {  	s26 =	simm.s32 $execute0_lowered;
	[smem:$0x3FD2] =	sst s25  }
0xa6: {  	s5 =	sshll.u32 s26, $0x1;
	_ =	strace $0x80000046;
	[dreg:$0x1] =	wrdreg $0xFFFFFFFF  }
0xa7: {  	s28 =	simm.s32 $_size_execute0_lowered;
	s3 =	sadd.s32 s3, s5;
	[dreg:$0x0] =	wrdreg $0x0  }
0xa8: {  	s5 =	sshll.u32 s28, $0x1;
	[dreg:$0x2] =	wrdreg s3  }
0xa9: {  	[dreg:$0x3] =	wrdreg s5  }
0xaa: {  	[dreg:$0x4] =	wrdreg $0xC0  }
0xab: {  	_ =	task [dreg:s7], $0x5FFFF  }
0xac: {  	[dreg:$0x1] =	wrdreg $0xFFFFFFFF  }
0xad: {  	[dreg:$0x0] =	wrdreg $0x60  }
0xae: {  	[dreg:$0x2] =	wrdreg s24  }
0xaf: {  	[dreg:$0x3] =	wrdreg s2  }
0xb0: {  	[dreg:$0x4] =	wrdreg $0x9  }
0xb1: {  	_ =	task.clear_ibuf [dreg:s7], $0x5FFFF;
	_ =	strace $0x90000046  }
0xb2: {  	s29 =	simm.s32 $0x9;
	_ =	strace $0x80000048  }
0xb3: {  	_ =	swait.ge [sflag:s29], $0x1  }
0xb4: {  	[sflag:s29] =	ssyncadd.s32 $0xFFFFFFFF  }
0xb5: {  	_ =	strace $0x90000048  }
0xb6: {  	_ =	sfence  }
0xb7: {  	s30 =	sld [smem:$0x0];
	_ =	sdelay $0x2  }
0xb8: {  	s31 =	sshll.u32 s1, $0xD;
	s1 =	sshrl.u32 s1, $0x2  }
0xb9: {  	s3 =	sand.u32 $0x4000, s31;
	s1 =	sadd.s32 s1, s30  }
0xba: {  	s0 =	sor.u32 s3, s0;
	s1 =	sshll.u32 s1, $0x11  }
0xbb: {  	s0 =	sor.u32 s1, s0  }
0xbc: {  	s0 =	sadd.s32 $0x8F2B, s0  }
0xbd: {  	[sflag:s0] =	ssyncadd.remote.s32 $0x1  }
0xbe: {  	_ =	sfence.sel $0xFFFF  }
0xbf: {  	[dreg:$0x0] =	wrdreg $0xFFFFFFFF;
	(pc) =	sbr.abs _section_cstart, $3  }
0xc0: {  	[dreg:$0x1] =	wrdreg $0xFFFFFFFF  }
0xc1: {  	_ =	task.clear_ibuf [dreg:s7], $0x2FFFF;
	_ =	strace $0x9FFFFFFF  }
0xc2: {  	(tm) =	ssettm $0x7FFFFFFF  }
0xc3: {  	_ =	shalt  }
tec
execute0_lowered:
.L_overlay_start_1:
0x0: {  	(tag) =	ssettag $0x1  }
0x1: {  	s0 =	rddreg [dreg:$0x0]  }
0x2: {  	s1 =	rddreg [dreg:$0x1];
	s3 =	simm.s32 $0x0  }
0x3: {  	s2 =	srdreg.scid;
	s11 =	stileid.u32;
	s17 =	simm.s32 $0x5  }
0x4: {  	s19 =	simm.s32 $0x80;
	s30 =	simm.s32 $0x500;
	s31 =	simm.s32 $0xC600  }
0x5: {  	s13 =	simm.s32 $0x1;
	s15 =	simm.s32 $0x10600;
	s16 =	simm.s32 $0x3  }
0x6: {  	[smem:$0x7FF] =	sst s3;
	s2 =	sand.u32 $0x1, s2;
	s6 =	sshll.u32 s11, $0x1  }
0x7: {  	s4 =	sadd.s32 $0xF43200, s0;
	s5 =	sadd.s32 $0xA00, s0;
	s12 =	smul.u32 $0xC800, s11  }
0x8: {  	s9 =	sor.u32 s2, s6;
	s10 =	ssub.s32 $0x2, s2;
	s2 =	smul.u32 $0x6400, s2  }
0x9: {  	s8 =	sadd.s32 $0x1AE00, s0;
	_ =	strace $0x80000047;
	s7 =	smul.u32 $0x6400, s9  }
0xa: {  	s6 =	sadd.s32 $0x1E00, s0;
	s24 =	sshrl.u32 s10, $0x1;
	s29 =	sadd.s32 s2, s12  }
0xb: {  	s0 =	ssub.s32 s10, s24;
	s28 =	sor.u32 $0x200, s7;
	[dreg:$0x7] =	wrdreg s29  }
0xc: {  	s14 =	simm.s32 $0x2;
	s0 =	smax.u32 s0, $0x1;
	[dreg:$0x5] =	wrdreg s28  }
0xd: {  	s25 =	sshrl.u32 s7, $0x3;
	s2 =	sor.u32 $0x100, s29;
	[dreg:$0x6] =	wrdreg s0  }
0xe: {  	s18 =	simm.s32 $0x14600;
	s26 =	sadd.s32 s6, s25;
	[dreg:$0x8] =	wrdreg s2  }
0xf: {  	s21 =	simm.s32 $0x0;
	s10 =	sadd.s32 s8, s25;
	[dreg:$0x3] =	wrdreg s26  }
0x10: {  	s11 =	smul.u32 $0x190000, s9;
	s0 =	sor.u32 $0x200, s29;
	[dreg:$0x4] =	wrdreg s10  }
0x11: {  	s9 =	simm.s32 $0x580;
	s2 =	simm.s32 $0x6600;
	[dreg:$0x9] =	wrdreg s0  }
0x12: {  	v0 =	vlaneseq.u32;
	s26 =	simm.s32 $0x100;
	s0 =	simm.s32 $0x180;
	s10 =	simm.s32 $0xE600  }
.LBB2_1:
0x13: {  	[dreg:$0xa] =	wrdreg s21  }
0x14: {  	s12 =	rddreg [dreg:$0x3]  }
0x15: {  	[tilespmem:s3], [sflag:$0x5] =	stream.linear.gather [hbm4b:s12+s3], $0x100, $0x38;
	[tilespmem:$0x18600] =	vst v63  }
0x16: {  	_ =	swait.ge [sflag:s17], $0x100  }
0x17: {  	[sflag:s17] =	ssyncset.done $0x0;
	s28 =	rddreg [dreg:$0x4]  }
0x18: {  	s20 =	simm.s32 $0x200;
	s29 =	rddreg [dreg:$0x7];
	[sflag:s17] =	ssyncadd.s32 $0xFFFFFF00  }
0x19: {  	[tilespmem:s20], [sflag:$0x5] =	stream.linear.gather [hbm4b:s28+s3], $0x100, $0x38;
	[tilespmem:$0x18600] =	vst v63  }
0x1a: {  	v1 =	vor.u32 s29, v0;
	_ =	swait.ge [sflag:s17], $0x100  }
0x1b: {  	v2 =	vmulhi.u32 $0x51EB851F, v1;
	[sflag:s17] =	ssyncset.done $0x0  }
0x1c: {  	s12 =	simm.s32 $0x0;
	[sflag:s17] =	ssyncadd.s32 $0xFFFFFF00  }
0x1d: {  	v3 =	vshrl.u32 v2, $0x6;
	v2 =	vld [tilespmem:s12+$0x200];
	_ =	sdelay $0x3  }
0x1e: {  	s21 =	sadd.s32 $0x10, s29;
	s20 =	simm.s32 $0x40;
	v3 =	vmul.u32 $0xC8, v3  }
.LBB2_2:
0x1f: {  	s22 =	sshra.s32 s20, $0x2;
	p0 =	sne.s32 s20, $0x3C0;
	s20 =	sadd.s32 $0x40, s20;
	v4 =	vmul.u32 $0xC8, v2  }
.Ltmp0:
0x20: {  	v2 =	vld [tilespmem:s22+$0x200];
	v3 =	vsub.s32 v1, v3;
	v1 =	vor.u32 s21, v0;
	(pc) =	sbr.rel @p0 .LBB2_2-.Ltmp0, $4  }
0x21: {  	v5 =	vmulhi.u32 $0x51EB851F, v1;
	v3 =	vadd.s32 v3, v4  }
0x22: {  	[tilespmem:s12+$0x400] =	vst v3;
	s12 =	smov.u32 s22  }
0x23: {  	v3 =	vshrl.u32 v5, $0x6  }
0x24: {  	s21 =	sadd.s32 $0x10, s21;
	v3 =	vmul.u32 $0xC8, v3  }
0x25: {  	v2 =	vmul.u32 $0xC8, v2  }
0x26: {  	v1 =	vsub.s32 v1, v3  }
0x27: {  	v1 =	vadd.s32 v1, v2  }
0x28: {  	s20 =	simm.s32 $0x0;
	s23 =	simm.s32 $0x600;
	[tilespmem:s12+$0x400] =	vst v1  }
0x29: {  	[tilespmem:s23], [sflag:$0x1] =	stream.indirect.gather [hbm4b:s4+s19], $0x40, s20, s19, $0xb8;
	[tilespmem:$0x18600] =	vst v63  }
0x2a: {  	s24 =	simm.s32 $0x400;
	s21 =	simm.s32 $0x8600  }
0x2b: {  	[tilespmem:s21], [sflag:$0x1] =	stream.indirect.gather [hbm4b:s5+s19], $0x40, s24, s19, $0xb8;
	[tilespmem:$0x18600] =	vst v63  }
0x2c: {  	s25 =	simm.s32 $0x2600;
	s28 =	simm.s32 $0x480;
	s22 =	rddreg [dreg:$0x8]  }
0x2d: {  	[tilespmem:s25], [sflag:$0x1] =	stream.indirect.gather [hbm4b:s4+s19], $0x40, s19, s19, $0xb8;
	[tilespmem:$0x18600] =	vst v63  }
0x2e: {  	s29 =	simm.s32 $0xA600;
	s23 =	simm.s32 $0x0;
	s21 =	rddreg [dreg:$0x9]  }
0x2f: {  	[tilespmem:s29], [sflag:$0x1] =	stream.indirect.gather [hbm4b:s5+s19], $0x40, s28, s19, $0xb8;
	[tilespmem:$0x18600] =	vst v63  }
.LBB2_4:
0x30: {  	s24 =	sshllo.u32 s23, $0x1;
	p0 =	seq.s32 s23, $0x0  }
0x31: {  	s12 =	simm.s32 @!p0 $0x4;
	s25 =	sshll.u32 s24, $0x8  }
0x32: {  	_ =	swait.ge @!p0 [sflag:s12], $0x4000;
	s25 =	sadd.s32 s7, s25  }
0x33: {  	[sflag:s12] =	ssyncset.done @!p0 $0x0;
	s25 =	sshrl.u32 s25, $0x3  }
0x34: {  	[sflag:s12] =	ssyncadd.s32 @!p0 $0xFFFFC000;
	s29 =	sadd.s32 s6, s25  }
0x35: {  	[tilespmem:s26], [sflag:$0x5] =	stream.linear.gather [hbm4b:s29+s20], $0x100, $0x38;
	[tilespmem:$0x18600] =	vst v63  }
0x36: {  	_ =	swait.ge [sflag:s17], $0x100  }
0x37: {  	[sflag:s17] =	ssyncset.done $0x0  }
0x38: {  	s25 =	sadd.s32 s8, s25;
	s29 =	simm.s32 $0x300;
	[sflag:s17] =	ssyncadd.s32 $0xFFFFFF00  }
0x39: {  	[tilespmem:s29], [sflag:$0x5] =	stream.linear.gather [hbm4b:s25+s20], $0x100, $0x38;
	[tilespmem:$0x18600] =	vst v63  }
0x3a: {  	v1 =	vor.u32 s22, v0;
	_ =	swait.ge [sflag:s17], $0x100  }
0x3b: {  	v2 =	vmulhi.u32 $0x51EB851F, v1;
	[sflag:s17] =	ssyncset.done $0x0  }
0x3c: {  	s12 =	simm.s32 $0x0;
	[sflag:s17] =	ssyncadd.s32 $0xFFFFFF00  }
0x3d: {  	v3 =	vshrl.u32 v2, $0x6;
	v2 =	vld [tilespmem:s12+$0x300];
	_ =	sdelay $0x3  }
0x3e: {  	s28 =	sadd.s32 $0x10, s22;
	v3 =	vmul.u32 $0xC8, v3;
	s25 =	simm.s32 $0x40  }
.LBB2_5:
0x3f: {  	s29 =	sshra.s32 s25, $0x2;
	p0 =	sne.s32 s25, $0x3C0;
	s25 =	sadd.s32 $0x40, s25;
	v4 =	vmul.u32 $0xC8, v2  }
.Ltmp1:
0x40: {  	v2 =	vld [tilespmem:s29+$0x300];
	v3 =	vsub.s32 v1, v3;
	v1 =	vor.u32 s28, v0;
	(pc) =	sbr.rel @p0 .LBB2_5-.Ltmp1, $4  }
0x41: {  	v5 =	vmulhi.u32 $0x51EB851F, v1;
	v3 =	vadd.s32 v3, v4  }
0x42: {  	[tilespmem:s12+$0x500] =	vst v3;
	s12 =	smov.u32 s29  }
0x43: {  	v3 =	vshrl.u32 v5, $0x6  }
0x44: {  	s28 =	sadd.s32 $0x10, s28;
	v3 =	vmul.u32 $0xC8, v3  }
0x45: {  	v2 =	vmul.u32 $0xC8, v2  }
0x46: {  	v1 =	vsub.s32 v1, v3  }
0x47: {  	v1 =	vadd.s32 v1, v2  }
0x48: {  	s29 =	simm.s32 $0x4600;
	[tilespmem:s12+$0x500] =	vst v1  }
0x49: {  	[tilespmem:s29], [sflag:$0x2] =	stream.indirect.gather [hbm4b:s4+s19], $0x40, s26, s19, $0xb8;
	[tilespmem:$0x18600] =	vst v63  }
0x4a: {  	_ = 	snop  }
0x4b: {  	[tilespmem:s31], [sflag:$0x2] =	stream.indirect.gather [hbm4b:s5+s19], $0x40, s30, s19, $0xb8;
	[tilespmem:$0x18600] =	vst v63  }
0x4c: {  	_ = 	snop  }
0x4d: {  	[tilespmem:s2], [sflag:$0x2] =	stream.indirect.gather [hbm4b:s4+s19], $0x40, s0, s19, $0xb8;
	[tilespmem:$0x18600] =	vst v63  }
0x4e: {  	_ = 	snop  }
0x4f: {  	[tilespmem:s10], [sflag:$0x2] =	stream.indirect.gather [hbm4b:s5+s19], $0x40, s9, s19, $0xb8;
	[tilespmem:$0x18600] =	vst v63  }
0x50: {  	_ =	swait.ge [sflag:s13], $0x2000  }
0x51: {  	[sflag:s13] =	ssyncset.done $0x0  }
0x52: {  	[sflag:s13] =	ssyncadd.s32 $0xFFFFE000  }
0x53: {  	_ =	swait.ge [sflag:s13], $0x2000  }
0x54: {  	[sflag:s13] =	ssyncset.done $0x0  }
0x55: {  	[sflag:s13] =	ssyncadd.s32 $0xFFFFE000  }
0x56: {  	_ =	swait.ge [sflag:s13], $0x2000  }
0x57: {  	[sflag:s13] =	ssyncset.done $0x0  }
0x58: {  	[sflag:s13] =	ssyncadd.s32 $0xFFFFE000  }
0x59: {  	_ =	swait.ge [sflag:s13], $0x2000  }
0x5a: {  	[sflag:s13] =	ssyncset.done $0x0  }
0x5b: {  	s25 =	simm.s32 $0x0;
	[sflag:s13] =	ssyncadd.s32 $0xFFFFE000  }
0x5c: {  	v1 =	vld [tilespmem:s25+$0x6F0]  }
0x5d: {  	v2 =	vld [tilespmem:s25+$0x600]  }
0x5e: {  	v3 =	vld [tilespmem:s25+$0x86F0]  }
0x5f: {  	v4 =	vld [tilespmem:s25+$0x610]  }
0x60: {  	v5 =	vld [tilespmem:s25+$0x620]  }
0x61: {  	v6 =	vld [tilespmem:s25+$0x630]  }
0x62: {  	v7 =	vld [tilespmem:s25+$0x640]  }
0x63: {  	v8 =	vld [tilespmem:s25+$0x650]  }
0x64: {  	v9 =	vld [tilespmem:s25+$0x670]  }
0x65: {  	v10 =	vld [tilespmem:s25+$0x690]  }
0x66: {  	v11 =	vld [tilespmem:s25+$0x6A0]  }
0x67: {  	v12 =	vld [tilespmem:s25+$0x6B0]  }
0x68: {  	v13 =	vld [tilespmem:s25+$0x6C0]  }
0x69: {  	v14 =	vld [tilespmem:s25+$0x6D0]  }
0x6a: {  	v15 =	vld [tilespmem:s25+$0x6E0]  }
0x6b: {  	v16 =	vld [tilespmem:s25+$0x8600]  }
0x6c: {  	v17 =	vld [tilespmem:s25+$0x8610]  }
0x6d: {  	v18 =	vld [tilespmem:s25+$0x8620]  }
0x6e: {  	v19 =	vld [tilespmem:s25+$0x8630];
	v1 =	vmul.f32 $1.600000000e+01, v1  }
0x6f: {  	v20 =	vld [tilespmem:s25+$0x8640];
	v4 =	vmul.f32 $1.600000000e+01, v4  }
0x70: {  	v60 =	vld [tilespmem:s25+$0x8650];
	v2 =	vmul.f32 $1.600000000e+01, v2;
	v1 =	vadd.f32 v3, v1  }
0x71: {  	v5 =	vmul.f32 $1.600000000e+01, v5;
	v3 =	vld [tilespmem:s25+$0x660];
	v4 =	vadd.f32 v17, v4  }
0x72: {  	v21 =	vld [tilespmem:s25+$0x8660];
	v6 =	vmul.f32 $1.600000000e+01, v6;
	v2 =	vadd.f32 v16, v2;
	[tilespmem:s25+$0x106F0] =	vst v1  }
0x73: {  	v5 =	vadd.f32 v18, v5;
	v1 =	vld [tilespmem:s25+$0x680];
	[tilespmem:s25+$0x10610] =	vst v4;
	v4 =	vmul.f32 $1.600000000e+01, v7  }
0x74: {  	v6 =	vadd.f32 v19, v6;
	[tilespmem:s25+$0x10600] =	vst v2;
	v2 =	vld [tilespmem:s25+$0x8670]  }
0x75: {  	v61 =	vld [tilespmem:s25+$0x8680];
	[tilespmem:s25+$0x10620] =	vst v5;
	v5 =	vmul.f32 $1.600000000e+01, v8;
	v4 =	vadd.f32 v20, v4  }
0x76: {  	v62 =	vld [tilespmem:s25+$0x8690];
	[tilespmem:s25+$0x10630] =	vst v6;
	v3 =	vmul.f32 $1.600000000e+01, v3  }
0x77: {  	v6 =	vld [tilespmem:s25+$0x86A0];
	v5 =	vadd.f32 v60, v5;
	[tilespmem:s25+$0x10640] =	vst v4;
	v4 =	vmul.f32 $1.600000000e+01, v9  }
0x78: {  	v7 =	vld [tilespmem:s25+$0x86B0];
	v3 =	vadd.f32 v21, v3;
	v63 =	vmul.f32 $1.600000000e+01, v1  }
0x79: {  	v10 =	vmul.f32 $1.600000000e+01, v10;
	v8 =	vld [tilespmem:s25+$0x86C0];
	[tilespmem:s25+$0x10650] =	vst v5;
	v5 =	vmul.f32 $1.600000000e+01, v11;
	v1 =	vadd.f32 v2, v4  }
0x7a: {  	v9 =	vld [tilespmem:s25+$0x86D0];
	v4 =	vmul.f32 $1.600000000e+01, v12;
	v2 =	vmul.f32 $1.600000000e+01, v14;
	[tilespmem:s25+$0x10660] =	vst v3;
	v11 =	vadd.f32 v61, v63  }
0x7b: {  	s28 =	simm.s32 $0x800;
	s12 =	simm.s32 $0x100;
	v12 =	vadd.f32 v62, v10;
	v10 =	vld [tilespmem:s25+$0x86E0];
	v3 =	vmul.f32 $1.600000000e+01, v13;
	[tilespmem:s25+$0x10670] =	vst v1;
	v1 =	vmul.f32 $1.600000000e+01, v15  }
.LBB2_7:
0x7c: {  	p0 =	sne.s32 s28, $0xFC00;
	v13 =	vld [tilespmem:s12+$0x6F0];
	[tilespmem:s25+$0x10680] =	vst v11;
	v5 =	vadd.f32 v6, v5  }
0x7d: {  	v6 =	vld [tilespmem:s12+$0x600];
	[tilespmem:s25+$0x10690] =	vst v12;
	v4 =	vadd.f32 v7, v4  }
0x7e: {  	v7 =	vld [tilespmem:s12+$0x86F0];
	[tilespmem:s25+$0x106A0] =	vst v5;
	v3 =	vadd.f32 v8, v3  }
0x7f: {  	v5 =	vld [tilespmem:s12+$0x610];
	[tilespmem:s25+$0x106B0] =	vst v4;
	v2 =	vadd.f32 v9, v2  }
0x80: {  	v4 =	vld [tilespmem:s12+$0x620];
	[tilespmem:s25+$0x106C0] =	vst v3;
	v1 =	vadd.f32 v10, v1  }
0x81: {  	v3 =	vld [tilespmem:s12+$0x630];
	v8 =	vmul.f32 $1.600000000e+01, v13;
	[tilespmem:s25+$0x106D0] =	vst v2  }
0x82: {  	v6 =	vmul.f32 $1.600000000e+01, v6;
	v2 =	vld [tilespmem:s12+$0x640];
	[tilespmem:s25+$0x106E0] =	vst v1;
	s25 =	smov.u32 s12  }
0x83: {  	v1 =	vld [tilespmem:s25+$0x650];
	v7 =	vadd.f32 v7, v8  }
0x84: {  	v8 =	vmul.f32 $1.600000000e+01, v5;
	v5 =	vld [tilespmem:s25+$0x660]  }
0x85: {  	v9 =	vmul.f32 $1.600000000e+01, v4;
	v4 =	vld [tilespmem:s25+$0x670];
	[tilespmem:s25+$0x106F0] =	vst v7  }
0x86: {  	v7 =	vmul.f32 $1.600000000e+01, v3;
	v3 =	vld [tilespmem:s25+$0x680]  }
0x87: {  	v10 =	vmul.f32 $1.600000000e+01, v2;
	v2 =	vld [tilespmem:s25+$0x690]  }
0x88: {  	v11 =	vmul.f32 $1.600000000e+01, v1;
	v1 =	vld [tilespmem:s25+$0x6A0]  }
0x89: {  	v12 =	vmul.f32 $1.600000000e+01, v5;
	v13 =	vld [tilespmem:s25+$0x6B0]  }
0x8a: {  	v14 =	vmul.f32 $1.600000000e+01, v4;
	v15 =	vld [tilespmem:s25+$0x6C0]  }
0x8b: {  	v16 =	vmul.f32 $1.600000000e+01, v3;
	v17 =	vld [tilespmem:s25+$0x6D0]  }
0x8c: {  	v18 =	vmul.f32 $1.600000000e+01, v2;
	v19 =	vld [tilespmem:s25+$0x6E0]  }
0x8d: {  	v20 =	vld [tilespmem:s25+$0x8600];
	v5 =	vmul.f32 $1.600000000e+01, v1  }
0x8e: {  	v21 =	vld [tilespmem:s25+$0x8610];
	v4 =	vmul.f32 $1.600000000e+01, v13  }
0x8f: {  	v13 =	vld [tilespmem:s25+$0x8620];
	v3 =	vmul.f32 $1.600000000e+01, v15  }
0x90: {  	v15 =	vld [tilespmem:s25+$0x8630];
	v2 =	vmul.f32 $1.600000000e+01, v17  }
0x91: {  	v17 =	vld [tilespmem:s25+$0x8640];
	v1 =	vmul.f32 $1.600000000e+01, v19  }
0x92: {  	v6 =	vadd.f32 v20, v6;
	v19 =	vld [tilespmem:s25+$0x8650]  }
0x93: {  	v8 =	vadd.f32 v21, v8;
	v20 =	vld [tilespmem:s25+$0x8660]  }
0x94: {  	[tilespmem:s25+$0x10600] =	vst v6;
	v6 =	vadd.f32 v13, v9;
	v9 =	vld [tilespmem:s25+$0x8670]  }
0x95: {  	[tilespmem:s25+$0x10610] =	vst v8;
	v7 =	vadd.f32 v15, v7;
	v13 =	vld [tilespmem:s25+$0x8680]  }
0x96: {  	[tilespmem:s25+$0x10620] =	vst v6;
	v8 =	vadd.f32 v17, v10;
	v10 =	vld [tilespmem:s25+$0x8690]  }
.Ltmp2:
0x97: {  	[tilespmem:s25+$0x10630] =	vst v7;
	v11 =	vadd.f32 v19, v11;
	v6 =	vld [tilespmem:s25+$0x86A0];
	(pc) =	sbr.rel @p0 .LBB2_7-.Ltmp2, $4  }
0x98: {  	[tilespmem:s25+$0x10640] =	vst v8;
	v12 =	vadd.f32 v20, v12;
	v7 =	vld [tilespmem:s25+$0x86B0]  }
0x99: {  	[tilespmem:s25+$0x10650] =	vst v11;
	v14 =	vadd.f32 v9, v14;
	v8 =	vld [tilespmem:s25+$0x86C0]  }
0x9a: {  	[tilespmem:s25+$0x10660] =	vst v12;
	v11 =	vadd.f32 v13, v16;
	v9 =	vld [tilespmem:s25+$0x86D0]  }
0x9b: {  	s12 =	sshra.s32 s28, $0x2;
	s28 =	sadd.s32 $0x400, s28;
	[tilespmem:s25+$0x10670] =	vst v14;
	v12 =	vadd.f32 v10, v18;
	v10 =	vld [tilespmem:s25+$0x86E0]  }
0x9c: {  	v13 =	vld [tilespmem:s12+$0x6F0];
	[tilespmem:s25+$0x10680] =	vst v11;
	v5 =	vadd.f32 v6, v5  }
0x9d: {  	v11 =	vld [tilespmem:s12+$0x600];
	[tilespmem:s25+$0x10690] =	vst v12;
	v4 =	vadd.f32 v7, v4  }
0x9e: {  	v45 =	vld [tilespmem:s12+$0x86F0];
	[tilespmem:s25+$0x106A0] =	vst v5;
	v3 =	vadd.f32 v8, v3  }
0x9f: {  	v5 =	vld [tilespmem:s12+$0x610];
	[tilespmem:s25+$0x106B0] =	vst v4;
	v2 =	vadd.f32 v9, v2  }
0xa0: {  	v4 =	vld [tilespmem:s12+$0x620];
	[tilespmem:s25+$0x106C0] =	vst v3;
	v1 =	vadd.f32 v10, v1  }
0xa1: {  	v3 =	vld [tilespmem:s12+$0x630];
	[tilespmem:s25+$0x106D0] =	vst v2  }
0xa2: {  	v2 =	vld [tilespmem:s12+$0x640];
	[tilespmem:s25+$0x106E0] =	vst v1  }
0xa3: {  	v1 =	vld [tilespmem:s12+$0x650]  }
0xa4: {  	v47 =	vld [tilespmem:s12+$0x660]  }
0xa5: {  	v48 =	vld [tilespmem:s12+$0x670]  }
0xa6: {  	v49 =	vld [tilespmem:s12+$0x680]  }
0xa7: {  	v50 =	vld [tilespmem:s12+$0x690]  }
0xa8: {  	v51 =	vld [tilespmem:s12+$0x6A0]  }
0xa9: {  	v12 =	vld [tilespmem:s12+$0x6B0]  }
0xaa: {  	v52 =	vld [tilespmem:s12+$0x6C0]  }
0xab: {  	v14 =	vld [tilespmem:s12+$0x6D0]  }
0xac: {  	v15 =	vld [tilespmem:s12+$0x6E0]  }
0xad: {  	v16 =	vld [tilespmem:s12+$0x8600]  }
0xae: {  	v17 =	vld [tilespmem:s12+$0x8610]  }
0xaf: {  	v46 =	vmul.f32 $1.600000000e+01, v13;
	v18 =	vld [tilespmem:s12+$0x8620]  }
0xb0: {  	v11 =	vmul.f32 $1.600000000e+01, v11;
	v19 =	vld [tilespmem:s12+$0x8630]  }
0xb1: {  	v6 =	vadd.f32 v45, v46;
	v20 =	vld [tilespmem:s12+$0x8640];
	v5 =	vmul.f32 $1.600000000e+01, v5  }
0xb2: {  	v53 =	vld [tilespmem:s12+$0x8650];
	v4 =	vmul.f32 $1.600000000e+01, v4;
	v11 =	vadd.f32 v16, v11  }
0xb3: {  	v21 =	vld [tilespmem:s12+$0x8660];
	[tilespmem:s12+$0x106F0] =	vst v6;
	v3 =	vmul.f32 $1.600000000e+01, v3;
	v5 =	vadd.f32 v17, v5  }
0xb4: {  	v54 =	vld [tilespmem:s12+$0x8670];
	v2 =	vmul.f32 $1.600000000e+01, v2;
	v4 =	vadd.f32 v18, v4;
	[tilespmem:s12+$0x10600] =	vst v11  }
0xb5: {  	v55 =	vld [tilespmem:s12+$0x8680];
	v3 =	vadd.f32 v19, v3;
	v1 =	vmul.f32 $1.600000000e+01, v1;
	[tilespmem:s12+$0x10610] =	vst v5  }
0xb6: {  	v56 =	vld [tilespmem:s12+$0x8690];
	v7 =	vmul.f32 $1.600000000e+01, v47;
	v2 =	vadd.f32 v20, v2;
	[tilespmem:s12+$0x10620] =	vst v4  }
0xb7: {  	v8 =	vmul.f32 $1.600000000e+01, v48;
	[tilespmem:s12+$0x10630] =	vst v3;
	v3 =	vld [tilespmem:s12+$0x86A0];
	v1 =	vadd.f32 v53, v1  }
0xb8: {  	v6 =	vmul.f32 $1.600000000e+01, v49;
	v7 =	vadd.f32 v21, v7;
	[tilespmem:s12+$0x10640] =	vst v2;
	v2 =	vld [tilespmem:s12+$0x86B0]  }
0xb9: {  	v57 =	vmul.f32 $1.600000000e+01, v50;
	v8 =	vadd.f32 v54, v8;
	[tilespmem:s12+$0x10650] =	vst v1;
	v1 =	vld [tilespmem:s12+$0x86C0]  }
0xba: {  	v58 =	vld [tilespmem:s12+$0x86D0];
	v10 =	vmul.f32 $1.600000000e+01, v51;
	v5 =	vadd.f32 v55, v6;
	[tilespmem:s12+$0x10660] =	vst v7  }
0xbb: {  	v60 =	vld [tilespmem:s12+$0x86E0];
	v59 =	vmul.f32 $1.600000000e+01, v12;
	v4 =	vadd.f32 v56, v57;
	[tilespmem:s12+$0x10670] =	vst v8  }
0xbc: {  	v61 =	vmul.f32 $1.600000000e+01, v52;
	[tilespmem:s12+$0x10680] =	vst v5;
	v3 =	vadd.f32 v3, v10  }
0xbd: {  	v62 =	vmul.f32 $1.600000000e+01, v14;
	[tilespmem:s12+$0x10690] =	vst v4;
	v2 =	vadd.f32 v2, v59  }
0xbe: {  	v63 =	vmul.f32 $1.600000000e+01, v15;
	[tilespmem:s12+$0x106A0] =	vst v3;
	v1 =	vadd.f32 v1, v61  }
0xbf: {  	s28 =	sshll.u32 s23, $0xF;
	[tilespmem:s12+$0x106B0] =	vst v2;
	v2 =	vadd.f32 v58, v62  }
0xc0: {  	s25 =	sadd.s32 s11, s28;
	[tilespmem:s12+$0x106C0] =	vst v1;
	v1 =	vadd.f32 v60, v63  }
0xc1: {  	p0 =	seq.s32 s23, $0x31;
	s25 =	sshrl.u32 s25, $0x3;
	[tilespmem:s12+$0x106D0] =	vst v2  }
.Ltmp3:
0xc2: {  	s29 =	sadd.s32 s1, s25;
	[tilespmem:s12+$0x106E0] =	vst v1;
	(pc) =	sbr.rel @p0 .LBB2_12-.Ltmp3, $4  }
0xc3: {  	[hbm4b:s29+s3] =	stream.linear.scatter [tilespmem:s15], [sflag:$0x3], $0x4000, $0x38;
	[tilespmem:$0x18600] =	vst v63  }
0xc4: {  	_ =	swait.ge [sflag:s16], $0x4000  }
0xc5: {  	[sflag:s16] =	ssyncset.done $0x0  }
0xc6: {  	[sflag:s16] =	ssyncadd.s32 $0xFFFFC000  }
0xc7: {  	s12 =	sshll.u32 s23, $0x9;
	s25 =	rddreg [dreg:$0x5]  }
0xc8: {  	s12 =	sadd.s32 s12, s25  }
0xc9: {  	s12 =	sshrl.u32 s12, $0x3  }
0xca: {  	s28 =	simm.s32 $0x0;
	s29 =	sadd.s32 s6, s12  }
0xcb: {  	[tilespmem:s28], [sflag:$0x5] =	stream.linear.gather [hbm4b:s29+s28], $0x100, $0x38;
	[tilespmem:$0x18600] =	vst v63  }
0xcc: {  	_ =	swait.ge [sflag:s17], $0x100  }
0xcd: {  	[sflag:s17] =	ssyncset.done $0x0  }
0xce: {  	s12 =	sadd.s32 s8, s12;
	s29 =	simm.s32 $0x200;
	[sflag:s17] =	ssyncadd.s32 $0xFFFFFF00  }
0xcf: {  	[tilespmem:s29], [sflag:$0x5] =	stream.linear.gather [hbm4b:s12+s28], $0x100, $0x38;
	[tilespmem:$0x18600] =	vst v63  }
0xd0: {  	v1 =	vor.u32 s21, v0;
	_ =	swait.ge [sflag:s17], $0x100  }
0xd1: {  	v2 =	vmulhi.u32 $0x51EB851F, v1;
	[sflag:s17] =	ssyncset.done $0x0  }
0xd2: {  	s12 =	simm.s32 $0x0;
	[sflag:s17] =	ssyncadd.s32 $0xFFFFFF00  }
0xd3: {  	v3 =	vshrl.u32 v2, $0x6;
	v2 =	vld [tilespmem:s12+$0x200];
	_ =	sdelay $0x3  }
0xd4: {  	s25 =	simm.s32 $0x40;
	v3 =	vmul.u32 $0xC8, v3;
	s28 =	sadd.s32 $0x10, s21  }
.LBB2_10:
0xd5: {  	s29 =	sshra.s32 s25, $0x2;
	p0 =	sne.s32 s25, $0x3C0;
	s25 =	sadd.s32 $0x40, s25;
	v4 =	vmul.u32 $0xC8, v2  }
.Ltmp4:
0xd6: {  	v2 =	vld [tilespmem:s29+$0x200];
	v3 =	vsub.s32 v1, v3;
	v1 =	vor.u32 s28, v0;
	(pc) =	sbr.rel @p0 .LBB2_10-.Ltmp4, $4  }
0xd7: {  	v5 =	vmulhi.u32 $0x51EB851F, v1;
	v3 =	vadd.s32 v3, v4  }
0xd8: {  	[tilespmem:s12+$0x400] =	vst v3;
	s12 =	smov.u32 s29  }
0xd9: {  	v3 =	vshrl.u32 v5, $0x6  }
0xda: {  	s28 =	sadd.s32 $0x10, s28;
	v3 =	vmul.u32 $0xC8, v3  }
0xdb: {  	v2 =	vmul.u32 $0xC8, v2  }
0xdc: {  	v1 =	vsub.s32 v1, v3  }
0xdd: {  	v1 =	vadd.s32 v1, v2  }
0xde: {  	s28 =	simm.s32 $0x600;
	[tilespmem:s12+$0x400] =	vst v1  }
0xdf: {  	[tilespmem:s28], [sflag:$0x1] =	stream.indirect.gather [hbm4b:s4+s19], $0x40, s3, s19, $0xb8;
	[tilespmem:$0x18600] =	vst v63  }
0xe0: {  	s29 =	simm.s32 $0x400;
	s25 =	simm.s32 $0x8600  }
0xe1: {  	[tilespmem:s25], [sflag:$0x1] =	stream.indirect.gather [hbm4b:s5+s19], $0x40, s29, s19, $0xb8;
	[tilespmem:$0x18600] =	vst v63  }
0xe2: {  	s25 =	simm.s32 $0x2600  }
0xe3: {  	[tilespmem:s25], [sflag:$0x1] =	stream.indirect.gather [hbm4b:s4+s19], $0x40, s19, s19, $0xb8;
	[tilespmem:$0x18600] =	vst v63  }
0xe4: {  	s28 =	simm.s32 $0x480;
	s29 =	simm.s32 $0xA600  }
0xe5: {  	[tilespmem:s29], [sflag:$0x1] =	stream.indirect.gather [hbm4b:s5+s19], $0x40, s28, s19, $0xb8;
	[tilespmem:$0x18600] =	vst v63  }
.LBB2_12:
0xe6: {  	_ =	swait.ge [sflag:s14], $0x2000  }
0xe7: {  	[sflag:s14] =	ssyncset.done $0x0  }
0xe8: {  	[sflag:s14] =	ssyncadd.s32 $0xFFFFE000  }
0xe9: {  	_ =	swait.ge [sflag:s14], $0x2000  }
0xea: {  	[sflag:s14] =	ssyncset.done $0x0  }
0xeb: {  	[sflag:s14] =	ssyncadd.s32 $0xFFFFE000  }
0xec: {  	_ =	swait.ge [sflag:s14], $0x2000  }
0xed: {  	[sflag:s14] =	ssyncset.done $0x0  }
0xee: {  	[sflag:s14] =	ssyncadd.s32 $0xFFFFE000  }
0xef: {  	_ =	swait.ge [sflag:s14], $0x2000  }
0xf0: {  	[sflag:s14] =	ssyncset.done $0x0  }
0xf1: {  	s25 =	simm.s32 $0x0;
	[sflag:s14] =	ssyncadd.s32 $0xFFFFE000  }
0xf2: {  	v1 =	vld [tilespmem:s25+$0x46F0]  }
0xf3: {  	v2 =	vld [tilespmem:s25+$0x4600]  }
0xf4: {  	v3 =	vld [tilespmem:s25+$0xC6F0]  }
0xf5: {  	v4 =	vld [tilespmem:s25+$0x4610]  }
0xf6: {  	v5 =	vld [tilespmem:s25+$0x4620]  }
0xf7: {  	v6 =	vld [tilespmem:s25+$0x4630]  }
0xf8: {  	v7 =	vld [tilespmem:s25+$0x4640]  }
0xf9: {  	v8 =	vld [tilespmem:s25+$0x4650]  }
0xfa: {  	v9 =	vld [tilespmem:s25+$0x4670]  }
0xfb: {  	v10 =	vld [tilespmem:s25+$0x4690]  }
0xfc: {  	v11 =	vld [tilespmem:s25+$0x46A0]  }
0xfd: {  	v12 =	vld [tilespmem:s25+$0x46B0]  }
0xfe: {  	v13 =	vld [tilespmem:s25+$0x46C0]  }
0xff: {  	v14 =	vld [tilespmem:s25+$0x46D0]  }
0x100: {  	v15 =	vld [tilespmem:s25+$0x46E0]  }
0x101: {  	v16 =	vld [tilespmem:s25+$0xC600]  }
0x102: {  	v17 =	vld [tilespmem:s25+$0xC610]  }
0x103: {  	v18 =	vld [tilespmem:s25+$0xC620]  }
0x104: {  	v19 =	vld [tilespmem:s25+$0xC630];
	v1 =	vmul.f32 $1.600000000e+01, v1  }
0x105: {  	v20 =	vld [tilespmem:s25+$0xC640];
	v4 =	vmul.f32 $1.600000000e+01, v4  }
0x106: {  	v60 =	vld [tilespmem:s25+$0xC650];
	v2 =	vmul.f32 $1.600000000e+01, v2;
	v1 =	vadd.f32 v3, v1  }
0x107: {  	v5 =	vmul.f32 $1.600000000e+01, v5;
	v3 =	vld [tilespmem:s25+$0x4660];
	v4 =	vadd.f32 v17, v4  }
0x108: {  	v21 =	vld [tilespmem:s25+$0xC660];
	v6 =	vmul.f32 $1.600000000e+01, v6;
	v2 =	vadd.f32 v16, v2;
	[tilespmem:s25+$0x146F0] =	vst v1  }
0x109: {  	v5 =	vadd.f32 v18, v5;
	v1 =	vld [tilespmem:s25+$0x4680];
	[tilespmem:s25+$0x14610] =	vst v4;
	v4 =	vmul.f32 $1.600000000e+01, v7  }
0x10a: {  	v6 =	vadd.f32 v19, v6;
	[tilespmem:s25+$0x14600] =	vst v2;
	v2 =	vld [tilespmem:s25+$0xC670]  }
0x10b: {  	v61 =	vld [tilespmem:s25+$0xC680];
	[tilespmem:s25+$0x14620] =	vst v5;
	v5 =	vmul.f32 $1.600000000e+01, v8;
	v4 =	vadd.f32 v20, v4  }
0x10c: {  	v62 =	vld [tilespmem:s25+$0xC690];
	[tilespmem:s25+$0x14630] =	vst v6;
	v3 =	vmul.f32 $1.600000000e+01, v3  }
0x10d: {  	v6 =	vld [tilespmem:s25+$0xC6A0];
	v5 =	vadd.f32 v60, v5;
	[tilespmem:s25+$0x14640] =	vst v4;
	v4 =	vmul.f32 $1.600000000e+01, v9  }
0x10e: {  	v7 =	vld [tilespmem:s25+$0xC6B0];
	v3 =	vadd.f32 v21, v3;
	v63 =	vmul.f32 $1.600000000e+01, v1  }
0x10f: {  	v10 =	vmul.f32 $1.600000000e+01, v10;
	v8 =	vld [tilespmem:s25+$0xC6C0];
	[tilespmem:s25+$0x14650] =	vst v5;
	v5 =	vmul.f32 $1.600000000e+01, v11;
	v1 =	vadd.f32 v2, v4  }
0x110: {  	v9 =	vld [tilespmem:s25+$0xC6D0];
	v4 =	vmul.f32 $1.600000000e+01, v12;
	v2 =	vmul.f32 $1.600000000e+01, v14;
	[tilespmem:s25+$0x14660] =	vst v3;
	v11 =	vadd.f32 v61, v63  }
0x111: {  	s12 =	simm.s32 $0x100;
	s28 =	simm.s32 $0x800;
	v12 =	vadd.f32 v62, v10;
	v10 =	vld [tilespmem:s25+$0xC6E0];
	v3 =	vmul.f32 $1.600000000e+01, v13;
	[tilespmem:s25+$0x14670] =	vst v1;
	v1 =	vmul.f32 $1.600000000e+01, v15  }
.LBB2_13:
0x112: {  	p0 =	sne.s32 s28, $0xFC00;
	v13 =	vld [tilespmem:s12+$0x46F0];
	[tilespmem:s25+$0x14680] =	vst v11;
	v5 =	vadd.f32 v6, v5  }
0x113: {  	v6 =	vld [tilespmem:s12+$0x4600];
	[tilespmem:s25+$0x14690] =	vst v12;
	v4 =	vadd.f32 v7, v4  }
0x114: {  	v7 =	vld [tilespmem:s12+$0xC6F0];
	[tilespmem:s25+$0x146A0] =	vst v5;
	v3 =	vadd.f32 v8, v3  }
0x115: {  	v5 =	vld [tilespmem:s12+$0x4610];
	[tilespmem:s25+$0x146B0] =	vst v4;
	v2 =	vadd.f32 v9, v2  }
0x116: {  	v4 =	vld [tilespmem:s12+$0x4620];
	[tilespmem:s25+$0x146C0] =	vst v3;
	v1 =	vadd.f32 v10, v1  }
0x117: {  	v3 =	vld [tilespmem:s12+$0x4630];
	v8 =	vmul.f32 $1.600000000e+01, v13;
	[tilespmem:s25+$0x146D0] =	vst v2  }
0x118: {  	v6 =	vmul.f32 $1.600000000e+01, v6;
	v2 =	vld [tilespmem:s12+$0x4640];
	[tilespmem:s25+$0x146E0] =	vst v1;
	s25 =	smov.u32 s12  }
0x119: {  	v1 =	vld [tilespmem:s25+$0x4650];
	v7 =	vadd.f32 v7, v8  }
0x11a: {  	v8 =	vmul.f32 $1.600000000e+01, v5;
	v5 =	vld [tilespmem:s25+$0x4660]  }
0x11b: {  	v9 =	vmul.f32 $1.600000000e+01, v4;
	v4 =	vld [tilespmem:s25+$0x4670];
	[tilespmem:s25+$0x146F0] =	vst v7  }
0x11c: {  	v7 =	vmul.f32 $1.600000000e+01, v3;
	v3 =	vld [tilespmem:s25+$0x4680]  }
0x11d: {  	v10 =	vmul.f32 $1.600000000e+01, v2;
	v2 =	vld [tilespmem:s25+$0x4690]  }
0x11e: {  	v11 =	vmul.f32 $1.600000000e+01, v1;
	v1 =	vld [tilespmem:s25+$0x46A0]  }
0x11f: {  	v12 =	vmul.f32 $1.600000000e+01, v5;
	v13 =	vld [tilespmem:s25+$0x46B0]  }
0x120: {  	v14 =	vmul.f32 $1.600000000e+01, v4;
	v15 =	vld [tilespmem:s25+$0x46C0]  }
0x121: {  	v16 =	vmul.f32 $1.600000000e+01, v3;
	v17 =	vld [tilespmem:s25+$0x46D0]  }
0x122: {  	v18 =	vmul.f32 $1.600000000e+01, v2;
	v19 =	vld [tilespmem:s25+$0x46E0]  }
0x123: {  	v20 =	vld [tilespmem:s25+$0xC600];
	v5 =	vmul.f32 $1.600000000e+01, v1  }
0x124: {  	v21 =	vld [tilespmem:s25+$0xC610];
	v4 =	vmul.f32 $1.600000000e+01, v13  }
0x125: {  	v13 =	vld [tilespmem:s25+$0xC620];
	v3 =	vmul.f32 $1.600000000e+01, v15  }
0x126: {  	v15 =	vld [tilespmem:s25+$0xC630];
	v2 =	vmul.f32 $1.600000000e+01, v17  }
0x127: {  	v17 =	vld [tilespmem:s25+$0xC640];
	v1 =	vmul.f32 $1.600000000e+01, v19  }
0x128: {  	v6 =	vadd.f32 v20, v6;
	v19 =	vld [tilespmem:s25+$0xC650]  }
0x129: {  	v8 =	vadd.f32 v21, v8;
	v20 =	vld [tilespmem:s25+$0xC660]  }
0x12a: {  	[tilespmem:s25+$0x14600] =	vst v6;
	v6 =	vadd.f32 v13, v9;
	v9 =	vld [tilespmem:s25+$0xC670]  }
0x12b: {  	[tilespmem:s25+$0x14610] =	vst v8;
	v7 =	vadd.f32 v15, v7;
	v13 =	vld [tilespmem:s25+$0xC680]  }
0x12c: {  	[tilespmem:s25+$0x14620] =	vst v6;
	v8 =	vadd.f32 v17, v10;
	v10 =	vld [tilespmem:s25+$0xC690]  }
.Ltmp5:
0x12d: {  	[tilespmem:s25+$0x14630] =	vst v7;
	v11 =	vadd.f32 v19, v11;
	v6 =	vld [tilespmem:s25+$0xC6A0];
	(pc) =	sbr.rel @p0 .LBB2_13-.Ltmp5, $4  }
0x12e: {  	[tilespmem:s25+$0x14640] =	vst v8;
	v12 =	vadd.f32 v20, v12;
	v7 =	vld [tilespmem:s25+$0xC6B0]  }
0x12f: {  	[tilespmem:s25+$0x14650] =	vst v11;
	v14 =	vadd.f32 v9, v14;
	v8 =	vld [tilespmem:s25+$0xC6C0]  }
0x130: {  	[tilespmem:s25+$0x14660] =	vst v12;
	v11 =	vadd.f32 v13, v16;
	v9 =	vld [tilespmem:s25+$0xC6D0]  }
0x131: {  	s12 =	sshra.s32 s28, $0x2;
	s28 =	sadd.s32 $0x400, s28;
	[tilespmem:s25+$0x14670] =	vst v14;
	v12 =	vadd.f32 v10, v18;
	v10 =	vld [tilespmem:s25+$0xC6E0]  }
0x132: {  	v13 =	vld [tilespmem:s12+$0x46F0];
	[tilespmem:s25+$0x14680] =	vst v11;
	v5 =	vadd.f32 v6, v5  }
0x133: {  	v11 =	vld [tilespmem:s12+$0x4600];
	[tilespmem:s25+$0x14690] =	vst v12;
	v4 =	vadd.f32 v7, v4  }
0x134: {  	v45 =	vld [tilespmem:s12+$0xC6F0];
	[tilespmem:s25+$0x146A0] =	vst v5;
	v3 =	vadd.f32 v8, v3  }
0x135: {  	v5 =	vld [tilespmem:s12+$0x4610];
	[tilespmem:s25+$0x146B0] =	vst v4;
	v2 =	vadd.f32 v9, v2  }
0x136: {  	v4 =	vld [tilespmem:s12+$0x4620];
	[tilespmem:s25+$0x146C0] =	vst v3;
	v1 =	vadd.f32 v10, v1  }
0x137: {  	v3 =	vld [tilespmem:s12+$0x4630];
	[tilespmem:s25+$0x146D0] =	vst v2  }
0x138: {  	v2 =	vld [tilespmem:s12+$0x4640];
	[tilespmem:s25+$0x146E0] =	vst v1  }
0x139: {  	v1 =	vld [tilespmem:s12+$0x4650]  }
0x13a: {  	v47 =	vld [tilespmem:s12+$0x4660]  }
0x13b: {  	v48 =	vld [tilespmem:s12+$0x4670]  }
0x13c: {  	v49 =	vld [tilespmem:s12+$0x4680]  }
0x13d: {  	v50 =	vld [tilespmem:s12+$0x4690]  }
0x13e: {  	v51 =	vld [tilespmem:s12+$0x46A0]  }
0x13f: {  	v12 =	vld [tilespmem:s12+$0x46B0]  }
0x140: {  	v52 =	vld [tilespmem:s12+$0x46C0]  }
0x141: {  	v14 =	vld [tilespmem:s12+$0x46D0]  }
0x142: {  	v15 =	vld [tilespmem:s12+$0x46E0]  }
0x143: {  	v16 =	vld [tilespmem:s12+$0xC600]  }
0x144: {  	v17 =	vld [tilespmem:s12+$0xC610]  }
0x145: {  	v46 =	vmul.f32 $1.600000000e+01, v13;
	v18 =	vld [tilespmem:s12+$0xC620]  }
0x146: {  	v11 =	vmul.f32 $1.600000000e+01, v11;
	v19 =	vld [tilespmem:s12+$0xC630]  }
0x147: {  	v6 =	vadd.f32 v45, v46;
	v20 =	vld [tilespmem:s12+$0xC640];
	v5 =	vmul.f32 $1.600000000e+01, v5  }
0x148: {  	v53 =	vld [tilespmem:s12+$0xC650];
	v4 =	vmul.f32 $1.600000000e+01, v4;
	v11 =	vadd.f32 v16, v11  }
0x149: {  	v21 =	vld [tilespmem:s12+$0xC660];
	[tilespmem:s12+$0x146F0] =	vst v6;
	v3 =	vmul.f32 $1.600000000e+01, v3;
	v5 =	vadd.f32 v17, v5  }
0x14a: {  	v54 =	vld [tilespmem:s12+$0xC670];
	v2 =	vmul.f32 $1.600000000e+01, v2;
	v4 =	vadd.f32 v18, v4;
	[tilespmem:s12+$0x14600] =	vst v11  }
0x14b: {  	v55 =	vld [tilespmem:s12+$0xC680];
	v3 =	vadd.f32 v19, v3;
	v1 =	vmul.f32 $1.600000000e+01, v1;
	[tilespmem:s12+$0x14610] =	vst v5  }
0x14c: {  	v56 =	vld [tilespmem:s12+$0xC690];
	v7 =	vmul.f32 $1.600000000e+01, v47;
	v2 =	vadd.f32 v20, v2;
	[tilespmem:s12+$0x14620] =	vst v4  }
0x14d: {  	v8 =	vmul.f32 $1.600000000e+01, v48;
	[tilespmem:s12+$0x14630] =	vst v3;
	v3 =	vld [tilespmem:s12+$0xC6A0];
	v1 =	vadd.f32 v53, v1  }
0x14e: {  	v6 =	vmul.f32 $1.600000000e+01, v49;
	v7 =	vadd.f32 v21, v7;
	[tilespmem:s12+$0x14640] =	vst v2;
	v2 =	vld [tilespmem:s12+$0xC6B0]  }
0x14f: {  	v57 =	vmul.f32 $1.600000000e+01, v50;
	v8 =	vadd.f32 v54, v8;
	[tilespmem:s12+$0x14650] =	vst v1;
	v1 =	vld [tilespmem:s12+$0xC6C0]  }
0x150: {  	v58 =	vld [tilespmem:s12+$0xC6D0];
	v10 =	vmul.f32 $1.600000000e+01, v51;
	v5 =	vadd.f32 v55, v6;
	[tilespmem:s12+$0x14660] =	vst v7  }
0x151: {  	v60 =	vld [tilespmem:s12+$0xC6E0];
	v59 =	vmul.f32 $1.600000000e+01, v12;
	v4 =	vadd.f32 v56, v57;
	[tilespmem:s12+$0x14670] =	vst v8  }
0x152: {  	v61 =	vmul.f32 $1.600000000e+01, v52;
	[tilespmem:s12+$0x14680] =	vst v5;
	v3 =	vadd.f32 v3, v10  }
0x153: {  	s23 =	sadd.s32 $0x1, s23;
	v62 =	vmul.f32 $1.600000000e+01, v14;
	[tilespmem:s12+$0x14690] =	vst v4;
	v2 =	vadd.f32 v2, v59  }
0x154: {  	p0 =	sne.s32 s23, $0x32;
	v63 =	vmul.f32 $1.600000000e+01, v15;
	[tilespmem:s12+$0x146A0] =	vst v3;
	v1 =	vadd.f32 v1, v61  }
.Ltmp6:
0x155: {  	s24 =	sshll.u32 s24, $0xE;
	[tilespmem:s12+$0x146B0] =	vst v2;
	v2 =	vadd.f32 v58, v62;
	(pc) =	sbr.rel @p0 .LBB2_4-.Ltmp6, $4  }
0x156: {  	s24 =	sadd.s32 s11, s24;
	[tilespmem:s12+$0x146C0] =	vst v1;
	v1 =	vadd.f32 v60, v63  }
0x157: {  	s24 =	sshrl.u32 s24, $0x3;
	[tilespmem:s12+$0x146D0] =	vst v2  }
0x158: {  	s22 =	sadd.s32 $0x200, s22;
	s21 =	sadd.s32 $0x200, s21;
	s29 =	sadd.s32 s1, s24;
	[tilespmem:s12+$0x146E0] =	vst v1  }
0x159: {  	[hbm4b:s29+s3] =	stream.linear.scatter [tilespmem:s18], [sflag:$0x4], $0x4000, $0x38;
	[tilespmem:$0x18600] =	vst v63  }
0x15a: {  	s20 =	simm.s32 $0x4  }
0x15b: {  	_ =	swait.ge [sflag:s20], $0x4000  }
0x15c: {  	s21 =	rddreg [dreg:$0xa]  }
0x15d: {  	s12 =	rddreg [dreg:$0x6];
	s21 =	sadd.s32 $0x1, s21  }
0x15e: {  	p0 =	sne.s32 s21, s12  }
.Ltmp7:
0x15f: {  	_ = 	snop;
	(pc) =	sbr.rel @p0 .LBB2_1-.Ltmp7, $3  }
0x160: {  	_ =	sdelay $0x1  }
0x161: {  	[sflag:s20] =	ssyncset.done $0x0  }
0x162: {  	[sflag:s20] =	ssyncadd.s32 $0xFFFFC000  }
0x163: {  	_ =	sfence.sel $0x180000  }
0x164: {  	[bflag:$0x0] =	sbarrier.arrive $0xFFFF  }
0x165: {  	_ =	strace $0x90000047  }
0x166: {  	s0 =	stileid.u32;
	[bflag:$0x2] =	sbarrier.arrive $0xFFFF  }
0x167: {  	p0 =	sne.s32 s0, $0x0;
	s0 =	rddreg [dreg:$0x2]  }
0x168: {  	s0 =	sadd.s32 @!p0 $0x100000, s0  }
0x169: {  	[sflag:s0] =	ssyncadd.tile.s32 @!p0 $0x1;
	_ =	shalt  }
.Lfunc_end2:
_tile_overlayer_lowered:
.L_overlay_start_2:
0x16a: {  	(tag) =	ssettag $0x2  }
0x16b: {  	s0 =	rddreg [dreg:$0x0];
	s2 =	stileid.u32  }
0x16c: {  	s1 =	rddreg [dreg:$0x1];
	p0 =	sne.s32 s2, $0x0  }
0x16d: {  	s3 =	rddreg [dreg:$0x2];
	[bflag:$0x3] =	sbarrier.arrive $0xFFFF;
	s2 =	simm.s32 @!p0 $0x1C05  }
0x16e: {  	[timem:s3], [sflag:s2] =	dma.local @!p0 [hbm:s0], s1  }
0x16f: {  	s0 =	simm.s32 @!p0 $0x5  }
0x170: {  	_ =	swait.ge @!p0 [sflag:s0], s1  }
0x171: {  	s1 =	ssub.s32 @!p0 $0x0, s1;
	[sflag:s0] =	ssyncset.done @!p0 $0x0  }
0x172: {  	[sflag:s0] =	ssyncadd.s32 @!p0 s1  }
0x173: {  	[bflag:$0x3] =	sbarrier.arrive $0xFFFF  }
0x174: {  	_ =	shalt  }

// kernel: sparse-core-data-format-call.cloned.1.call-start
scs
called_computation_lowered:
.L_overlay_start_0:
0x0: {  	s2 =	sld [smem:$0x3FD9]  }
0x1: {  	s3 =	sld [smem:$0x3FFE];
	_ =	sdelay $0x1  }
0x2: {  	s1 =	srdreg.scid  }
0x3: {  	s0 =	sand.u32 $0x1, s1  }
0x4: {  	s18 =	sshll.u32 s0, $0xA;
	s2 =	sadd.s32 s3, s2  }
0x5: {  	s2 =	sadd.s32 s2, s18  }
0x6: {  	[smem:$0x3FC4] =	sst s2  }
0x7: {  	_ = 	snop  }
0x8: {  	s2 =	sld [smem:$0x3FD0];
	(tm) =	ssettm $0x1  }
0x9: {  	s19 =	sld [smem:$0x3FFB];
	_ =	sdelay $0x3  }
0xa: {  	_ =	strace s19  }
0xb: {  	s3 =	sld [smem:$0x3FFC];
	_ =	sdelay $0x3  }
0xc: {  	_ =	strace s3  }
0xd: {  	s3 =	sld [smem:$0x3FFD];
	_ =	sdelay $0x3  }
0xe: {  	_ =	strace s3  }
0xf: {  	_ =	strace $0x8FFFFFFF  }
0x10: {  	s20 =	sld [smem:$0x3FDB];
	_ =	sdelay $0x1  }
0x11: {  	s4 =	simm.s32 $_scs_section_size  }
0x12: {  	s5 =	simm.s32 $_size__tile_overlayer_lowered;
	s6 =	simm.s32 $_tile_overlayer_lowered  }
0x13: {  	s23 =	simm.s32 $0x1BFF;
	s22 =	sshll.u32 s6, $0x1;
	s3 =	sadd.s32 s4, s20  }
0x14: {  	s7 =	simm.s32 $0x0;
	s21 =	sshll.u32 s5, $0x1;
	s5 =	sadd.s32 s22, s3  }
0x15: {  	[timem:s7], [sflag:s23] =	dma.local [hbm:s5], s21  }
0x16: {  	_ =	swait.ge [sflag:s23], s21  }
0x17: {  	s4 =	ssub.s32 $0x0, s21;
	[sflag:s23] =	ssyncset.done $0x0  }
0x18: {  	[sflag:s23] =	ssyncadd.s32 s4;
	_ =	sdelay $0x1  }
0x19: {  	s24 =	simm.s32 $0x1B8B  }
0x1a: {  	_ =	swait.ge [sflag:s24], $0x1  }
0x1b: {  	[sflag:s24] =	ssyncset.done $0x0  }
0x1c: {  	s26 =	simm.s32 $0x1B8E;
	s25 =	sld [smem:$0x3FFE];
	[sflag:s24] =	ssyncadd.s32 $0xFFFFFFFF  }
0x1d: {  	s27 =	simm.s32 $execute0_lowered;
	[smem:$0x3FD2] =	sst s26  }
0x1e: {  	s5 =	sshll.u32 s27, $0x1;
	_ =	strace $0x80000049;
	[dreg:$0x1] =	wrdreg $0xFFFFFFFF  }
0x1f: {  	s28 =	simm.s32 $_size_execute0_lowered;
	s3 =	sadd.s32 s3, s5;
	[dreg:$0x0] =	wrdreg $0x0  }
0x20: {  	s5 =	sshll.u32 s28, $0x1;
	[dreg:$0x2] =	wrdreg s3  }
0x21: {  	[dreg:$0x3] =	wrdreg s5  }
0x22: {  	[dreg:$0x4] =	wrdreg $0xC0  }
0x23: {  	_ =	task [dreg:s7], $0x5FFFF  }
0x24: {  	[dreg:$0x1] =	wrdreg $0xFFFFFFFF  }
0x25: {  	[dreg:$0x0] =	wrdreg $0x60  }
0x26: {  	[dreg:$0x2] =	wrdreg s25  }
0x27: {  	[dreg:$0x3] =	wrdreg s2  }
0x28: {  	[dreg:$0x4] =	wrdreg $0x9  }
0x29: {  	_ =	task.clear_ibuf [dreg:s7], $0x5FFFF;
	_ =	strace $0x90000049  }
0x2a: {  	s29 =	simm.s32 $0x9;
	_ =	strace $0x8000004B  }
0x2b: {  	_ =	swait.ge [sflag:s29], $0x1  }
0x2c: {  	[sflag:s29] =	ssyncadd.s32 $0xFFFFFFFF  }
0x2d: {  	_ =	strace $0x9000004B  }
0x2e: {  	_ =	sfence  }
0x2f: {  	s30 =	sld [smem:$0x0];
	_ =	sdelay $0x2  }
0x30: {  	s31 =	sshll.u32 s1, $0xD;
	s1 =	sshrl.u32 s1, $0x2  }
0x31: {  	s3 =	sand.u32 $0x4000, s31;
	s1 =	sadd.s32 s1, s30  }
0x32: {  	s0 =	sor.u32 s3, s0;
	s1 =	sshll.u32 s1, $0x11  }
0x33: {  	s0 =	sor.u32 s1, s0  }
0x34: {  	s0 =	sadd.s32 $0x8F2B, s0  }
0x35: {  	[sflag:s0] =	ssyncadd.remote.s32 $0x1  }
0x36: {  	_ =	sfence.sel $0xFFFF  }
0x37: {  	[dreg:$0x0] =	wrdreg $0xFFFFFFFF;
	(pc) =	sbr.abs _section_cstart, $3  }
0x38: {  	[dreg:$0x1] =	wrdreg $0xFFFFFFFF  }
0x39: {  	_ =	task.clear_ibuf [dreg:s7], $0x2FFFF;
	_ =	strace $0x9FFFFFFF  }
0x3a: {  	(tm) =	ssettm $0x7FFFFFFF  }
0x3b: {  	_ =	shalt  }
tec
execute0_lowered:
.L_overlay_start_1:
0x0: {  	(tag) =	ssettag $0x1  }
0x1: {  	s0 =	srdreg.scid  }
0x2: {  	s1 =	sshll.u32 s0, $0x4  }
0x3: {  	s0 =	stileid.u32;
	s1 =	sand.u32 $0x10, s1  }
0x4: {  	s1 =	sor.u32 s0, s1  }
0x5: {  	s6 =	rddreg [dreg:$0x0];
	s4 =	simm.s32 $0x1;
	s2 =	sshll.u32 s1, $0x7  }
0x6: {  	s7 =	simm.s32 $0x2;
	s12 =	simm.s32 $0x0;
	s1 =	ssub.s32 $0x1000, s2  }
0x7: {  	s8 =	simm.s32 $0x8000;
	s13 =	simm.s32 $0x0;
	s3 =	sand.u32 $0xF80, s1  }
0x8: {  	s9 =	simm.s32 $0x0;
	s5 =	sshrl.u32 s1, $0xC;
	p0 =	sne.s32 s3, $0x0  }
.Ltmp0:
0x9: {  	s1 =	rddreg [dreg:$0x2];
	s4 =	simm.s32 @!p0 $0x0;
	(pc) =	sbr.rel .LBB1_1-.Ltmp0, $4  }
0xa: {  	s11 =	simm.s32 $0x0;
	s3 =	rddreg [dreg:$0x1];
	s5 =	sadd.s32 s4, s5  }
0xb: {  	_ =	strace $0x8000004A;
	s4 =	simm.s32 $0x1;
	s5 =	smul.u32 $0xC8, s5  }
0xc: {  	s6 =	sadd.s32 $0xA00, s6;
	s10 =	smov.u32 s2;
	[sflag:s4] =	ssyncpa.u1 $0x0  }
0xd: {  	p0 =	por $0x0, $0x0;
	[sflag:s7] =	ssyncpa.u1 $0x0;
	s7 =	sor.u32 $0x1, s5  }
.LBB1_4:
0xe: {  	s16 =	sshll.u32 s13, $0x3;
	s17 =	sand.u32 $0x78, s13  }
0xf: {  	s30 =	sand.u32 $0x7E00, s13;
	s12 =	sshll.u32 s12, $0xF;
	s16 =	sand.u32 $0xC00, s16  }
0x10: {  	[tilespmem:s15+$0x810 ss:$0x81] =	vst.msk $0xffff, v2;
	s31 =	sand.u32 $0x7, s13;
	s16 =	sor.u32 s17, s16;
	s17 =	sadd.s32 s3, s30  }
0x11: {  	[tilespmem:s15+$0x1020 ss:$0x81] =	vst.msk $0xffff, v0;
	s13 =	sshll.u32 s31, $0x12;
	s12 =	sadd.s32 s12, s17;
	s16 =	sshrl.u32 s16, $0x3  }
0x12: {  	[tilespmem:s15+$0x0 ss:$0x81] =	vst.msk $0xffff, v1;
	s13 =	sor.u32 $0x400, s13;
	s12 =	sadd.s32 s16, s12  }
0x13: {  	[hbm4b:s12+s13] =	stream.strided.scatter [tilespmem:s14], [sflag:$0x2], $0x2000, s8, s13, $0x20;
	[tilespmem:$0x8080] =	vst v63  }
.LBB1_5:
0x14: {  	s14 =	sadd.s32 $0x1, s9  }
0x15: {  	s12 =	sadd.s32 $0x1000, s10;
	s16 =	smov.u32 s10;
	p2 =	sgt.s32 s14, $0xC7  }
0x16: {  	s16 =	smov.u32 @p2 s12  }
0x17: {  	s14 =	simm.s32 @p2 $0x0;
	p2 =	sgt.s32 s16, $0xFFF  }
0x18: {  	s16 =	smov.u32 @p2 s2;
	p2 =	sne.s32 s11, s7  }
.Ltmp1:
0x19: {  	p1 =	slt.u32 s11, $0x2;
	(pc) =	sbr.rel @!p2 .LBB1_6-.Ltmp1, $4  }
0x1a: {  	s15 =	simm.s32 @!p1 $0x2  }
0x1b: {  	s13 =	smov.u32 s10;
	p0 =	por !p0, !p0;
	_ =	swait.ge @!p1 [sflag:s15], $0x2000  }
0x1c: {  	s12 =	smov.u32 s9;
	[sflag:s15] =	ssyncset.done @!p1 $0x0;
	s9 =	smov.u32 s14  }
0x1d: {  	s11 =	sadd.s32 $0x1, s11;
	[sflag:s15] =	ssyncadd.s32 @!p1 $0xFFFFE000;
	s10 =	smov.u32 s16  }
.LBB1_1:
0x1e: {  	p1 =	sge.u32 s11, s5  }
0x1f: {  	s14 =	sand.u32 @!p1 $0x1FFFFFF, s9  }
0x20: {  	s15 =	smulhi.u32 @!p1 $0x147AE15, s14;
	_ =	sdelay $0x1  }
0x21: {  	s15 =	smul.u32 @!p1 $0xC8, s15  }
0x22: {  	s16 =	sxor.u32 @!p1 $0xFFFFFFFF, s11;
	s17 =	smul.u32 @!p1 $0xC80, s10  }
0x23: {  	s31 =	sadd.s32 $0xFFFFFFFF, s11;
	s16 =	sshll.u32 @!p1 s16, $0xD;
	s14 =	ssub.s32 @!p1 s14, s15  }
0x24: {  	s15 =	sand.u32 @!p1 $0x2000, s16;
	s16 =	sadd.s32 @!p1 s6, s17;
	s14 =	sshll.u32 @!p1 s14, $0x4  }
0x25: {  	s17 =	simm.s32 @!p1 $0x6400;
	s14 =	sadd.s32 @!p1 s14, s16;
	s16 =	simm.s32 @!p1 $0x40  }
0x26: {  	[tilespmem:s15], [sflag:$0x1] =	stream.strided.gather @!p1 [hbm4b:s14+s16], $0x2000, s17, s16, $0x38;
	[tilespmem:$0x8080] =	vst v63  }
0x27: {  	p1 =	sge.u32 s31, s5  }
.Ltmp2:
0x28: {  	_ = 	snop;
	(pc) =	sbr.rel @p1 .LBB1_5-.Ltmp2, $1  }
0x29: {  	_ =	sdelay $0x3  }
0x2a: {  	s14 =	simm.s32 $0x1  }
0x2b: {  	_ =	swait.ge [sflag:s4], $0x2000;
	s14 =	simm.s32 @!p0 $0x0  }
0x2c: {  	[sflag:s4] =	ssyncset.done $0x0;
	s15 =	sshll.u32 s14, $0xD  }
0x2d: {  	[sflag:s4] =	ssyncadd.s32 $0xFFFFE000;
	s18 =	sor.u32 $0x20, s15  }
0x2e: {  	s14 =	smul.u32 $0x8100, s14;
	v3 =	vld [tilespmem:s18+$0x10]  }
0x2f: {  	s30 =	sand.u32 $0x1, s11;
	v2 =	vld [tilespmem:s18+$0xFFFFFFF0]  }
0x30: {  	s15 =	smul.u32 $0x8100, s30;
	s14 =	sshrl.u32 s14, $0x2;
	v0 =	vld [tilespmem:s18+$0x0]  }
0x31: {  	v1 =	vld [tilespmem:s18+$0xFFFFFFE0];
	s16 =	sor.u32 $0x4000, s14  }
0x32: {  	s31 =	sshrl.u32 s15, $0x2;
	s15 =	sadd.s32 $0x0, s16  }
0x33: {  	s17 =	simm.s32 $0x4;
	s18 =	sadd.s32 $0x40, s18;
	s14 =	sor.u32 $0x4000, s31;
	[tilespmem:s15+$0x1830 ss:$0x81] =	vst.msk $0xffff, v3  }
.LBB1_3:
0x34: {  	v3 =	vld [tilespmem:s18+$0x10];
	p1 =	sne.s32 s17, $0x1FC;
	[tilespmem:s15+$0x810 ss:$0x81] =	vst.msk $0xffff, v2;
	s19 =	smov.u32 s17;
	s17 =	sadd.s32 $0x4, s17  }
.Ltmp3:
0x35: {  	v2 =	vld [tilespmem:s18+$0xFFFFFFF0];
	[tilespmem:s15+$0x1020 ss:$0x81] =	vst.msk $0xffff, v0;
	(pc) =	sbr.rel @p1 .LBB1_3-.Ltmp3, $4  }
0x36: {  	v0 =	vld [tilespmem:s18+$0x0];
	[tilespmem:s15+$0x0 ss:$0x81] =	vst.msk $0xffff, v1  }
0x37: {  	s15 =	sshra.s32 s19, $0x2;
	v1 =	vld [tilespmem:s18+$0xFFFFFFE0]  }
0x38: {  	s15 =	sadd.s32 s15, s16  }
0x39: {  	s18 =	sadd.s32 $0x40, s18;
	[tilespmem:s15+$0x1830 ss:$0x81] =	vst.msk $0xffff, v3  }
.Ltmp4:
0x3a: {  	_ = 	snop;
	(pc) =	sbr.rel .LBB1_4-.Ltmp4, $1  }
0x3b: {  	_ =	sdelay $0x3  }
.LBB1_6:
0x3c: {  	_ =	sfence.sel $0x180000  }
0x3d: {  	s2 =	simm.s32 $0x1;
	[bflag:$0x0] =	sbarrier.arrive $0xFFFF  }
0x3e: {  	s31 =	simm.s32 $0x2;
	[sflag:s2] =	ssyncpa.u1 $0x1  }
0x3f: {  	[sflag:s31] =	ssyncpa.u1 $0x1  }
0x40: {  	p0 =	sne.s32 s0, $0x0;
	_ =	strace $0x9000004A  }
0x41: {  	s0 =	sadd.s32 @!p0 $0x100000, s1;
	[bflag:$0x2] =	sbarrier.arrive $0xFFFF  }
0x42: {  	[sflag:s0] =	ssyncadd.tile.s32 @!p0 $0x1;
	_ =	shalt  }
.Lfunc_end1:
_tile_overlayer_lowered:
.L_overlay_start_2:
0x43: {  	(tag) =	ssettag $0x2  }
0x44: {  	s0 =	rddreg [dreg:$0x0];
	s2 =	stileid.u32  }
0x45: {  	s1 =	rddreg [dreg:$0x1];
	p0 =	sne.s32 s2, $0x0  }
0x46: {  	s3 =	rddreg [dreg:$0x2];
	[bflag:$0x3] =	sbarrier.arrive $0xFFFF;
	s2 =	simm.s32 @!p0 $0x1C01  }
0x47: {  	[timem:s3], [sflag:s2] =	dma.local @!p0 [hbm:s0], s1  }
0x48: {  	s0 =	simm.s32 @!p0 $0x1  }
0x49: {  	_ =	swait.ge @!p0 [sflag:s0], s1  }
0x4a: {  	s1 =	ssub.s32 @!p0 $0x0, s1;
	[sflag:s0] =	ssyncset.done @!p0 $0x0  }
0x4b: {  	[sflag:s0] =	ssyncadd.s32 @!p0 s1  }
0x4c: {  	[bflag:$0x3] =	sbarrier.arrive $0xFFFF  }
0x4d: {  	_ =	shalt  }

</sc_bundles>
